<compile_context>
chip_gen: v7x
topology: tpu7x:2x2x1
jax: 0.10.2.dev20260603
libtpu: 0.0.44.dev20260713+nightly
codegen_flags: <defaults>
</compile_context>

<pallas_src>
import functools

import jax
import jax.numpy as jnp
from jax import lax
from jax.experimental import pallas as pl
from jax.experimental.pallas import tpu as pltpu
from jax.experimental.pallas import tpu_sc as plsc

N_SAMPLES = 3_200_000
N_RAYS = 100_000
NC = 2
NS = 16
NW = NC * NS
C_PER_W = N_SAMPLES // NW
CHUNK = 4_000
N_CHUNKS = C_PER_W // CHUNK
ACC_ROWS = 100_352
STRIPE = ACC_ROWS // NS
LANES = 16
DUMMY = ACC_ROWS - 1
IPAD = CHUNK + LANES
SCAP = 2 * CHUNK + 2 * LANES


def _sc_segment_sum(nx, ny, nz, weights_flat, idx_flat):
    @functools.partial(
        pl.kernel,
        out_type=jax.ShapeDtypeStruct((NC * 3, 1, ACC_ROWS), jnp.float32),
        mesh=plsc.VectorSubcoreMesh(core_axis_name="c", subcore_axis_name="s"),
        compiler_params=pltpu.CompilerParams(needs_layout_passes=False),
        scratch_types=[
            pltpu.MemorySpace.VMEM_SHARED((ACC_ROWS,), jnp.float32),
            pltpu.MemorySpace.VMEM_SHARED((ACC_ROWS,), jnp.float32),
            pltpu.MemorySpace.VMEM_SHARED((ACC_ROWS,), jnp.float32),
            pltpu.VMEM((STRIPE,), jnp.float32),
            pltpu.VMEM((2 * CHUNK,), jnp.float32),
            pltpu.VMEM((2 * CHUNK,), jnp.float32),
            pltpu.VMEM((2 * CHUNK,), jnp.float32),
            pltpu.VMEM((2 * CHUNK,), jnp.float32),
            pltpu.VMEM((2 * IPAD,), jnp.int32),
            pltpu.VMEM((SCAP,), jnp.int32),
            pltpu.VMEM((SCAP,), jnp.float32),
            pltpu.VMEM((SCAP,), jnp.float32),
            pltpu.VMEM((SCAP,), jnp.float32),
            pltpu.SemaphoreType.DMA,
            pltpu.SemaphoreType.DMA,
        ],
    )
    def k(nx_hbm, ny_hbm, nz_hbm, w_hbm, i_hbm, out_hbm,
          acc_x, acc_y, acc_z, zbuf, vx, vy, vz, w_v, idx_f,
          st_id, st_x, st_y, st_z, sem_in, sem_s):
        cc = lax.axis_index("c")
        ss = lax.axis_index("s")
        wid = ss * NC + cc
        iota = lax.iota(jnp.int32, LANES)
        zeros = jnp.zeros((LANES,), jnp.float32)
        dummyv = jnp.full((LANES,), DUMMY, jnp.int32)
        accs = (acc_x, acc_y, acc_z)
        stages = (st_x, st_y, st_z)
        planes = (nx_hbm, ny_hbm, nz_hbm)
        vplanes = (vx, vy, vz)

        def in_copies(kk, b):
            base = wid * C_PER_W + kk * CHUNK
            cps = [
                pltpu.make_async_copy(
                    planes[c].at[pl.ds(base, CHUNK)],
                    vplanes[c].at[pl.ds(b * CHUNK, CHUNK)], sem_in)
                for c in range(3)]
            cps.append(pltpu.make_async_copy(
                w_hbm.at[pl.ds(base, CHUNK)],
                w_v.at[pl.ds(b * CHUNK, CHUNK)], sem_in))
            cps.append(pltpu.make_async_copy(
                i_hbm.at[pl.ds(base, CHUNK)],
                idx_f.at[pl.ds(b * IPAD, CHUNK)], sem_in))
            return cps

        def zbody(p, carry):
            zbuf[pl.ds(p * LANES, LANES)] = zeros
            return carry

        lax.fori_loop(0, STRIPE // LANES, zbody, 0)
        for a in accs:
            pltpu.sync_copy(zbuf, a.at[pl.ds(ss * STRIPE, STRIPE)])
        plsc.subcore_barrier()

        for cp in in_copies(0, 0):
            cp.start()

        def chunk_body(kk, carry):
            b = lax.rem(kk, 2)
            ib = b * IPAD
            for cp in in_copies(kk, b):
                cp.wait()

            @pl.when(kk + 1 < N_CHUNKS)
            def _():
                for cp in in_copies(kk + 1, 1 - b):
                    cp.start()

            plsc.store_scatter(idx_f, [ib + CHUNK + iota], dummyv)

            def jbody(j, st):
                ptr, cx, cy, cz = st
                off = j * LANES
                idv = idx_f[pl.ds(ib + off, LANES)]
                idn = plsc.load_gather(idx_f, [ib + off + 1 + iota])
                wv = w_v[pl.ds(b * CHUNK + off, LANES)]
                m = idv != idn
                mi = m.astype(jnp.int32)
                cnt = jnp.sum(mi)
                pos = ptr + plsc.cumsum(mi) - mi
                pos2 = pos + cnt
                plsc.store_scatter(st_id, [pos], idv, mask=m)
                plsc.store_scatter(st_id, [pos2], idn, mask=m)
                carries = []
                for c, (stg, cold) in enumerate(zip(stages, (cx, cy, cz))):
                    vc = wv * vplanes[c][pl.ds(b * CHUNK + off, LANES)]
                    csb = plsc.cumsum(vc) + cold
                    plsc.store_scatter(stg, [pos], csb, mask=m)
                    plsc.store_scatter(stg, [pos2], -csb, mask=m)
                    carries.append(cold + jnp.sum(vc))
                return (ptr + 2 * cnt, carries[0], carries[1], carries[2])

            ptr, _, _, _ = plsc.parallel_loop(
                0, CHUNK // LANES, 1, unroll=4,
                carry=(jnp.int32(0), jnp.float32(0.0), jnp.float32(0.0),
                       jnp.float32(0.0)))(jbody)

            plsc.store_scatter(st_id, [ptr + iota], dummyv)
            plsc.store_scatter(st_id, [ptr + LANES + iota], dummyv)

            ng = (ptr + LANES - 1) // LANES

            def gbody(g, c3):
                p = g * LANES
                idg = st_id[pl.ds(p, LANES)]
                for c in range(3):
                    pltpu.async_copy(stages[c].at[pl.ds(p, LANES)],
                                     accs[c].at[idg], sem_s, add=True)
                return c3

            lax.fori_loop(0, ng, gbody, 0)

            def dbody(g, c4):
                p = g * LANES
                idg = st_id[pl.ds(p, LANES)]
                for c in range(3):
                    pltpu.make_async_copy(stages[c].at[pl.ds(p, LANES)],
                                          accs[c].at[idg], sem_s).wait()
                return c4

            lax.fori_loop(0, ng, dbody, 0)
            return carry

        lax.fori_loop(0, N_CHUNKS, chunk_body, 0)

        plsc.subcore_barrier()
        for c in range(3):
            pltpu.sync_copy(
                accs[c].at[pl.ds(ss * STRIPE, STRIPE)],
                out_hbm.at[cc * 3 + c, 0, pl.ds(ss * STRIPE, STRIPE)])

    return k(nx, ny, nz, weights_flat, idx_flat)


def _merge_normalize(partial):
    BR = 512

    def body(x_ref, o_ref):
        x = x_ref[...]
        s = x[0] + x[1]
        nsq = jnp.sum(s * s, axis=0, keepdims=True)
        o_ref[...] = s / jnp.sqrt(jnp.maximum(nsq, 1e-20))

    return pl.pallas_call(
        body,
        grid=(ACC_ROWS // BR,),
        in_specs=[pl.BlockSpec((NC, 3, BR), lambda i: (0, 0, i))],
        out_specs=pl.BlockSpec((3, BR), lambda i: (0, i)),
        out_shape=jax.ShapeDtypeStruct((3, ACC_ROWS), jnp.float32),
    )(partial)


def kernel(normals, weights, ray_indices, num_rays):
    idx = ray_indices.astype(jnp.int32)
    nx, ny, nz = (normals[:, 0], normals[:, 1], normals[:, 2])
    partial = _sc_segment_sum(nx, ny, nz, weights.reshape(N_SAMPLES), idx)
    merged = _merge_normalize(partial.reshape(NC, 3, ACC_ROWS))
    return merged[:, :N_RAYS].T

# --- scband reference (transcript-rebuilt; emitter-appended) ---
"""Pipeline reference for scband-normals-renderer-29901562314807 (READ-ONLY COPY).

The authoritative reference and input builder live on the scoring server;
editing this copy changes nothing except your own understanding.
"""

import jax, jax.numpy as jnp
import numpy as np

NUM_SAMPLES = 3200000
NUM_RAYS = 100000

def setup_inputs(seed: int = 0) -> dict:
    key = jax.random.key(seed)
    k1, k2, k3 = jax.random.split(key, 3)
    normals = jax.random.normal(k1, (NUM_SAMPLES, 3), dtype=jnp.float32)
    weights = jax.random.uniform(k2, (NUM_SAMPLES, 1), dtype=jnp.float32)
    ray_indices = jnp.sort(jax.random.randint(k3, (NUM_SAMPLES,), 0, NUM_RAYS, dtype=jnp.int64))
    return {"normals": normals, "weights": weights, "ray_indices": ray_indices, "num_rays": NUM_RAYS}

def _safe_normalize(x, eps=1e-20):
    norm_sq = jnp.sum(x * x, axis=-1, keepdims=True)
    return x / jnp.sqrt(jnp.maximum(norm_sq, eps))

def reference(normals, weights, ray_indices, num_rays):
    # accumulate_along_rays: scatter-add of weights * normals into per-ray buckets
    vals = weights * normals  # [num_samples, 3]
    num_rays_arr = jnp.asarray(num_rays)
    ids = ray_indices + (num_rays_arr - num_rays_arr).astype(ray_indices.dtype)
    n = jax.ops.segment_sum(vals, ids, num_segments=NUM_RAYS)  # [num_rays, 3]
    # normalize=True path
    n = _safe_normalize(n)
    return n

if __name__ == "__main__":
    import jax
    _d = setup_inputs()
    print(jax.jit(kernel)(*tuple(_d.values())))

</pallas_src>

<mosaic_0001>
#map = affine_map<(d0, d1) -> (0)>
#map1 = affine_map<(d0, d1) -> (0, 0, 0)>
module attributes {stable_mosaic.version = 14 : i64} {
  func.func @k(%arg0: i32, %arg1: i32, %arg2: memref<3200000xf32, #tpu.memory_space<hbm>>, %arg3: memref<3200000xf32, #tpu.memory_space<hbm>>, %arg4: memref<3200000xf32, #tpu.memory_space<hbm>>, %arg5: memref<3200000xf32, #tpu.memory_space<hbm>>, %arg6: memref<3200000xi32, #tpu.memory_space<hbm>>, %arg7: memref<6x1x100352xf32, #tpu.memory_space<hbm>>, %arg8: memref<100352xf32, #tpu.memory_space<vmem_shared>>, %arg9: memref<100352xf32, #tpu.memory_space<vmem_shared>>, %arg10: memref<100352xf32, #tpu.memory_space<vmem_shared>>, %arg11: memref<6272xf32, #tpu.memory_space<vmem>>, %arg12: memref<8000xf32, #tpu.memory_space<vmem>>, %arg13: memref<8000xf32, #tpu.memory_space<vmem>>, %arg14: memref<8000xf32, #tpu.memory_space<vmem>>, %arg15: memref<8000xf32, #tpu.memory_space<vmem>>, %arg16: memref<8032xi32, #tpu.memory_space<vmem>>, %arg17: memref<8032xi32, #tpu.memory_space<vmem>>, %arg18: memref<8032xf32, #tpu.memory_space<vmem>>, %arg19: memref<8032xf32, #tpu.memory_space<vmem>>, %arg20: memref<8032xf32, #tpu.memory_space<vmem>>, %arg21: memref<!tpu.dma_semaphore, #tpu.memory_space<semaphore_mem>>, %arg22: memref<!tpu.dma_semaphore, #tpu.memory_space<semaphore_mem>>) attributes {dimension_semantics = [#tpu.dimension_semantics<core_parallel>, #tpu.dimension_semantics<subcore_parallel>], iteration_bounds = array<i64: 2, 16>, scalar_prefetch = 0 : i64, scratch_operands = 15 : i64, tpu.core_type = #tpu.core_type<sc_vector_subcore>, window_params = [{transform_indices = #map}, {transform_indices = #map}, {transform_indices = #map}, {transform_indices = #map}, {transform_indices = #map}, {transform_indices = #map1}]} {
    %mul3A = arith.constant 2 : i32
    %mul3A_0 = arith.muli %arg1, %mul3A : i32
    %add3A = arith.addi %mul3A_0, %arg0 : i32
    %iota3A = tpu.iota {dimensions = array<i32: 0>} : vector<16xi32>
    %broadcast_in_dim3A = arith.constant 0.000000e+00 : f32
    %broadcast_in_dim3A_1 = vector.broadcast %broadcast_in_dim3A : f32 to vector<16xf32>
    %broadcast_in_dim3A_2 = arith.constant 100351 : i32
    %broadcast_in_dim3A_3 = vector.broadcast %broadcast_in_dim3A_2 : i32 to vector<16xi32>
    %scan3A = arith.constant 0 : i32
    %scan3A_4 = arith.constant 0 : i32
    %scan3A_5 = arith.constant 392 : i32
    %scan3A_6 = arith.addi %scan3A_4, %scan3A_5 : i32
    %scan3A_7 = arith.constant 1 : i32
    scf.for %scan3A_81 = %scan3A_4 to %scan3A_6 step %scan3A_7  : i32 {
      %mul3A_82 = arith.constant 16 : i32
      %mul3A_83 = arith.muli %scan3A_81, %mul3A_82 : i32
      %swap3A = arith.index_cast %mul3A_83 : i32 to index
      %swap3A_84 = tpu.vector_load %arg11[%swap3A] {strides = array<i32>} : memref<6272xf32, #tpu.memory_space<vmem>>, vector<16xf32>,
      tpu.vector_store %arg11[%swap3A], %broadcast_in_dim3A_1 {strides = array<i32>} : memref<6272xf32, #tpu.memory_space<vmem>>, vector<16xf32>,
    }
    %scan3A_8 = arith.constant 392 : i32
    %mul3A_9 = arith.constant 6272 : i32
    %mul3A_10 = arith.muli %arg1, %mul3A_9 : i32
    "tpu.region"() ({
      %run_scoped3A_81 = tpu.sem_alloc : memref<!tpu.dma_semaphore, #tpu.memory_space<semaphore_mem>>
      %dma_start3A_82 = tpu.memref_slice %arg8[%mul3A_10] : memref<100352xf32, #tpu.memory_space<vmem_shared>> -> memref<6272xf32, #tpu.memory_space<vmem_shared>>
      %dma_start3A_83 = tpu.memref_slice %arg8[%mul3A_10] : memref<100352xf32, #tpu.memory_space<vmem_shared>> -> memref<6272xf32, #tpu.memory_space<vmem_shared>>
      tpu.enqueue_dma source(%arg11 : memref<6272xf32, #tpu.memory_space<vmem>>) target(%dma_start3A_83 : memref<6272xf32, #tpu.memory_space<vmem_shared>>) target_semaphore(%run_scoped3A_81 : memref<!tpu.dma_semaphore, #tpu.memory_space<semaphore_mem>>)
      %dma_wait3A = tpu.memref_slice %arg8[%mul3A_10] : memref<100352xf32, #tpu.memory_space<vmem_shared>> -> memref<6272xf32, #tpu.memory_space<vmem_shared>>
      %dma_wait3A_84 = tpu.memref_slice %arg8[%mul3A_10] : memref<100352xf32, #tpu.memory_space<vmem_shared>> -> memref<6272xf32, #tpu.memory_space<vmem_shared>>
      tpu.wait_dma2 semaphore(%run_scoped3A_81 : memref<!tpu.dma_semaphore, #tpu.memory_space<semaphore_mem>>) src(%arg11 : memref<6272xf32, #tpu.memory_space<vmem>>) dst(%dma_wait3A_84 : memref<6272xf32, #tpu.memory_space<vmem_shared>>)
      tpu.yield
    }) : () -> ()
    %mul3A_11 = arith.constant 6272 : i32
    %mul3A_12 = arith.muli %arg1, %mul3A_11 : i32
    "tpu.region"() ({
      %run_scoped3A_81 = tpu.sem_alloc : memref<!tpu.dma_semaphore, #tpu.memory_space<semaphore_mem>>
      %dma_start3A_82 = tpu.memref_slice %arg9[%mul3A_12] : memref<100352xf32, #tpu.memory_space<vmem_shared>> -> memref<6272xf32, #tpu.memory_space<vmem_shared>>
      %dma_start3A_83 = tpu.memref_slice %arg9[%mul3A_12] : memref<100352xf32, #tpu.memory_space<vmem_shared>> -> memref<6272xf32, #tpu.memory_space<vmem_shared>>
      tpu.enqueue_dma source(%arg11 : memref<6272xf32, #tpu.memory_space<vmem>>) target(%dma_start3A_83 : memref<6272xf32, #tpu.memory_space<vmem_shared>>) target_semaphore(%run_scoped3A_81 : memref<!tpu.dma_semaphore, #tpu.memory_space<semaphore_mem>>)
      %dma_wait3A = tpu.memref_slice %arg9[%mul3A_12] : memref<100352xf32, #tpu.memory_space<vmem_shared>> -> memref<6272xf32, #tpu.memory_space<vmem_shared>>
      %dma_wait3A_84 = tpu.memref_slice %arg9[%mul3A_12] : memref<100352xf32, #tpu.memory_space<vmem_shared>> -> memref<6272xf32, #tpu.memory_space<vmem_shared>>
      tpu.wait_dma2 semaphore(%run_scoped3A_81 : memref<!tpu.dma_semaphore, #tpu.memory_space<semaphore_mem>>) src(%arg11 : memref<6272xf32, #tpu.memory_space<vmem>>) dst(%dma_wait3A_84 : memref<6272xf32, #tpu.memory_space<vmem_shared>>)
      tpu.yield
    }) : () -> ()
    %mul3A_13 = arith.constant 6272 : i32
    %mul3A_14 = arith.muli %arg1, %mul3A_13 : i32
    "tpu.region"() ({
      %run_scoped3A_81 = tpu.sem_alloc : memref<!tpu.dma_semaphore, #tpu.memory_space<semaphore_mem>>
      %dma_start3A_82 = tpu.memref_slice %arg10[%mul3A_14] : memref<100352xf32, #tpu.memory_space<vmem_shared>> -> memref<6272xf32, #tpu.memory_space<vmem_shared>>
      %dma_start3A_83 = tpu.memref_slice %arg10[%mul3A_14] : memref<100352xf32, #tpu.memory_space<vmem_shared>> -> memref<6272xf32, #tpu.memory_space<vmem_shared>>
      tpu.enqueue_dma source(%arg11 : memref<6272xf32, #tpu.memory_space<vmem>>) target(%dma_start3A_83 : memref<6272xf32, #tpu.memory_space<vmem_shared>>) target_semaphore(%run_scoped3A_81 : memref<!tpu.dma_semaphore, #tpu.memory_space<semaphore_mem>>)
      %dma_wait3A = tpu.memref_slice %arg10[%mul3A_14] : memref<100352xf32, #tpu.memory_space<vmem_shared>> -> memref<6272xf32, #tpu.memory_space<vmem_shared>>
      %dma_wait3A_84 = tpu.memref_slice %arg10[%mul3A_14] : memref<100352xf32, #tpu.memory_space<vmem_shared>> -> memref<6272xf32, #tpu.memory_space<vmem_shared>>
      tpu.wait_dma2 semaphore(%run_scoped3A_81 : memref<!tpu.dma_semaphore, #tpu.memory_space<semaphore_mem>>) src(%arg11 : memref<6272xf32, #tpu.memory_space<vmem>>) dst(%dma_wait3A_84 : memref<6272xf32, #tpu.memory_space<vmem_shared>>)
      tpu.yield
    }) : () -> ()
    %barrier3A = arith.constant 0 : index
    tpu.barrier barrier_id(%barrier3A)
    %mul3A_15 = arith.constant 100000 : i32
    %mul3A_16 = arith.muli %add3A, %mul3A_15 : i32
    %add3A_17 = arith.constant 0 : i32
    %add3A_18 = arith.addi %mul3A_16, %add3A_17 : i32
    %dma_start3A = arith.constant 0 : i32
    %dma_start3A_19 = tpu.memref_slice %arg12[%dma_start3A] : memref<8000xf32, #tpu.memory_space<vmem>> -> memref<4000xf32, #tpu.memory_space<vmem>>
    %dma_start3A_20 = tpu.memref_slice %arg2[%add3A_18] : memref<3200000xf32, #tpu.memory_space<hbm>> -> memref<4000xf32, #tpu.memory_space<hbm>>
    %dma_start3A_21 = arith.constant 0 : i32
    %dma_start3A_22 = tpu.memref_slice %arg12[%dma_start3A_21] : memref<8000xf32, #tpu.memory_space<vmem>> -> memref<4000xf32, #tpu.memory_space<vmem>>
    %dma_start3A_23 = tpu.memref_slice %arg2[%add3A_18] : memref<3200000xf32, #tpu.memory_space<hbm>> -> memref<4000xf32, #tpu.memory_space<hbm>>
    tpu.enqueue_dma source(%dma_start3A_23 : memref<4000xf32, #tpu.memory_space<hbm>>) target(%dma_start3A_22 : memref<4000xf32, #tpu.memory_space<vmem>>) target_semaphore(%arg21 : memref<!tpu.dma_semaphore, #tpu.memory_space<semaphore_mem>>)
    %dma_start3A_24 = arith.constant 0 : i32
    %dma_start3A_25 = tpu.memref_slice %arg13[%dma_start3A_24] : memref<8000xf32, #tpu.memory_space<vmem>> -> memref<4000xf32, #tpu.memory_space<vmem>>
    %dma_start3A_26 = tpu.memref_slice %arg3[%add3A_18] : memref<3200000xf32, #tpu.memory_space<hbm>> -> memref<4000xf32, #tpu.memory_space<hbm>>
    %dma_start3A_27 = arith.constant 0 : i32
    %dma_start3A_28 = tpu.memref_slice %arg13[%dma_start3A_27] : memref<8000xf32, #tpu.memory_space<vmem>> -> memref<4000xf32, #tpu.memory_space<vmem>>
    %dma_start3A_29 = tpu.memref_slice %arg3[%add3A_18] : memref<3200000xf32, #tpu.memory_space<hbm>> -> memref<4000xf32, #tpu.memory_space<hbm>>
    tpu.enqueue_dma source(%dma_start3A_29 : memref<4000xf32, #tpu.memory_space<hbm>>) target(%dma_start3A_28 : memref<4000xf32, #tpu.memory_space<vmem>>) target_semaphore(%arg21 : memref<!tpu.dma_semaphore, #tpu.memory_space<semaphore_mem>>)
    %dma_start3A_30 = arith.constant 0 : i32
    %dma_start3A_31 = tpu.memref_slice %arg14[%dma_start3A_30] : memref<8000xf32, #tpu.memory_space<vmem>> -> memref<4000xf32, #tpu.memory_space<vmem>>
    %dma_start3A_32 = tpu.memref_slice %arg4[%add3A_18] : memref<3200000xf32, #tpu.memory_space<hbm>> -> memref<4000xf32, #tpu.memory_space<hbm>>
    %dma_start3A_33 = arith.constant 0 : i32
    %dma_start3A_34 = tpu.memref_slice %arg14[%dma_start3A_33] : memref<8000xf32, #tpu.memory_space<vmem>> -> memref<4000xf32, #tpu.memory_space<vmem>>
    %dma_start3A_35 = tpu.memref_slice %arg4[%add3A_18] : memref<3200000xf32, #tpu.memory_space<hbm>> -> memref<4000xf32, #tpu.memory_space<hbm>>
    tpu.enqueue_dma source(%dma_start3A_35 : memref<4000xf32, #tpu.memory_space<hbm>>) target(%dma_start3A_34 : memref<4000xf32, #tpu.memory_space<vmem>>) target_semaphore(%arg21 : memref<!tpu.dma_semaphore, #tpu.memory_space<semaphore_mem>>)
    %dma_start3A_36 = arith.constant 0 : i32
    %dma_start3A_37 = tpu.memref_slice %arg15[%dma_start3A_36] : memref<8000xf32, #tpu.memory_space<vmem>> -> memref<4000xf32, #tpu.memory_space<vmem>>
    %dma_start3A_38 = tpu.memref_slice %arg5[%add3A_18] : memref<3200000xf32, #tpu.memory_space<hbm>> -> memref<4000xf32, #tpu.memory_space<hbm>>
    %dma_start3A_39 = arith.constant 0 : i32
    %dma_start3A_40 = tpu.memref_slice %arg15[%dma_start3A_39] : memref<8000xf32, #tpu.memory_space<vmem>> -> memref<4000xf32, #tpu.memory_space<vmem>>
    %dma_start3A_41 = tpu.memref_slice %arg5[%add3A_18] : memref<3200000xf32, #tpu.memory_space<hbm>> -> memref<4000xf32, #tpu.memory_space<hbm>>
    tpu.enqueue_dma source(%dma_start3A_41 : memref<4000xf32, #tpu.memory_space<hbm>>) target(%dma_start3A_40 : memref<4000xf32, #tpu.memory_space<vmem>>) target_semaphore(%arg21 : memref<!tpu.dma_semaphore, #tpu.memory_space<semaphore_mem>>)
    %dma_start3A_42 = arith.constant 0 : i32
    %dma_start3A_43 = tpu.memref_slice %arg16[%dma_start3A_42] : memref<8032xi32, #tpu.memory_space<vmem>> -> memref<4000xi32, #tpu.memory_space<vmem>>
    %dma_start3A_44 = tpu.memref_slice %arg6[%add3A_18] : memref<3200000xi32, #tpu.memory_space<hbm>> -> memref<4000xi32, #tpu.memory_space<hbm>>
    %dma_start3A_45 = arith.constant 0 : i32
    %dma_start3A_46 = tpu.memref_slice %arg16[%dma_start3A_45] : memref<8032xi32, #tpu.memory_space<vmem>> -> memref<4000xi32, #tpu.memory_space<vmem>>
    %dma_start3A_47 = tpu.memref_slice %arg6[%add3A_18] : memref<3200000xi32, #tpu.memory_space<hbm>> -> memref<4000xi32, #tpu.memory_space<hbm>>
    tpu.enqueue_dma source(%dma_start3A_47 : memref<4000xi32, #tpu.memory_space<hbm>>) target(%dma_start3A_46 : memref<4000xi32, #tpu.memory_space<vmem>>) target_semaphore(%arg21 : memref<!tpu.dma_semaphore, #tpu.memory_space<semaphore_mem>>)
    %scan3A_48 = arith.constant 0 : i32
    %scan3A_49 = arith.constant 0 : i32
    %scan3A_50 = arith.constant 25 : i32
    %scan3A_51 = arith.addi %scan3A_49, %scan3A_50 : i32
    %scan3A_52 = arith.constant 1 : i32
    scf.for %scan3A_81 = %scan3A_49 to %scan3A_51 step %scan3A_52  : i32 {
      %rem3A = arith.constant 2 : i32
      %rem3A_82 = arith.remsi %scan3A_81, %rem3A : i32
      %mul3A_83 = arith.constant 4016 : i32
      %mul3A_84 = arith.muli %rem3A_82, %mul3A_83 : i32
      %mul3A_85 = arith.constant 100000 : i32
      %mul3A_86 = arith.muli %add3A, %mul3A_85 : i32
      %mul3A_87 = arith.constant 4000 : i32
      %mul3A_88 = arith.muli %scan3A_81, %mul3A_87 : i32
      %add3A_89 = arith.addi %mul3A_86, %mul3A_88 : i32
      %mul3A_90 = arith.constant 4000 : i32
      %mul3A_91 = arith.muli %rem3A_82, %mul3A_90 : i32
      %mul3A_92 = arith.constant 4000 : i32
      %mul3A_93 = arith.muli %rem3A_82, %mul3A_92 : i32
      %mul3A_94 = arith.constant 4000 : i32
      %mul3A_95 = arith.muli %rem3A_82, %mul3A_94 : i32
      %mul3A_96 = arith.constant 4000 : i32
      %mul3A_97 = arith.muli %rem3A_82, %mul3A_96 : i32
      %mul3A_98 = arith.constant 4016 : i32
      %mul3A_99 = arith.muli %rem3A_82, %mul3A_98 : i32
      %dma_wait3A = tpu.memref_slice %arg12[%mul3A_91] : memref<8000xf32, #tpu.memory_space<vmem>> -> memref<4000xf32, #tpu.memory_space<vmem>>
      %dma_wait3A_100 = tpu.memref_slice %arg2[%add3A_89] : memref<3200000xf32, #tpu.memory_space<hbm>> -> memref<4000xf32, #tpu.memory_space<hbm>>
      %dma_wait3A_101 = tpu.memref_slice %arg12[%mul3A_91] : memref<8000xf32, #tpu.memory_space<vmem>> -> memref<4000xf32, #tpu.memory_space<vmem>>
      %dma_wait3A_102 = tpu.memref_slice %arg2[%add3A_89] : memref<3200000xf32, #tpu.memory_space<hbm>> -> memref<4000xf32, #tpu.memory_space<hbm>>
      tpu.wait_dma2 semaphore(%arg21 : memref<!tpu.dma_semaphore, #tpu.memory_space<semaphore_mem>>) src(%dma_wait3A_102 : memref<4000xf32, #tpu.memory_space<hbm>>) dst(%dma_wait3A_101 : memref<4000xf32, #tpu.memory_space<vmem>>)
      %dma_wait3A_103 = tpu.memref_slice %arg13[%mul3A_93] : memref<8000xf32, #tpu.memory_space<vmem>> -> memref<4000xf32, #tpu.memory_space<vmem>>
      %dma_wait3A_104 = tpu.memref_slice %arg3[%add3A_89] : memref<3200000xf32, #tpu.memory_space<hbm>> -> memref<4000xf32, #tpu.memory_space<hbm>>
      %dma_wait3A_105 = tpu.memref_slice %arg13[%mul3A_93] : memref<8000xf32, #tpu.memory_space<vmem>> -> memref<4000xf32, #tpu.memory_space<vmem>>
      %dma_wait3A_106 = tpu.memref_slice %arg3[%add3A_89] : memref<3200000xf32, #tpu.memory_space<hbm>> -> memref<4000xf32, #tpu.memory_space<hbm>>
      tpu.wait_dma2 semaphore(%arg21 : memref<!tpu.dma_semaphore, #tpu.memory_space<semaphore_mem>>) src(%dma_wait3A_106 : memref<4000xf32, #tpu.memory_space<hbm>>) dst(%dma_wait3A_105 : memref<4000xf32, #tpu.memory_space<vmem>>)
      %dma_wait3A_107 = tpu.memref_slice %arg14[%mul3A_95] : memref<8000xf32, #tpu.memory_space<vmem>> -> memref<4000xf32, #tpu.memory_space<vmem>>
      %dma_wait3A_108 = tpu.memref_slice %arg4[%add3A_89] : memref<3200000xf32, #tpu.memory_space<hbm>> -> memref<4000xf32, #tpu.memory_space<hbm>>
      %dma_wait3A_109 = tpu.memref_slice %arg14[%mul3A_95] : memref<8000xf32, #tpu.memory_space<vmem>> -> memref<4000xf32, #tpu.memory_space<vmem>>
      %dma_wait3A_110 = tpu.memref_slice %arg4[%add3A_89] : memref<3200000xf32, #tpu.memory_space<hbm>> -> memref<4000xf32, #tpu.memory_space<hbm>>
      tpu.wait_dma2 semaphore(%arg21 : memref<!tpu.dma_semaphore, #tpu.memory_space<semaphore_mem>>) src(%dma_wait3A_110 : memref<4000xf32, #tpu.memory_space<hbm>>) dst(%dma_wait3A_109 : memref<4000xf32, #tpu.memory_space<vmem>>)
      %dma_wait3A_111 = tpu.memref_slice %arg15[%mul3A_97] : memref<8000xf32, #tpu.memory_space<vmem>> -> memref<4000xf32, #tpu.memory_space<vmem>>
      %dma_wait3A_112 = tpu.memref_slice %arg5[%add3A_89] : memref<3200000xf32, #tpu.memory_space<hbm>> -> memref<4000xf32, #tpu.memory_space<hbm>>
      %dma_wait3A_113 = tpu.memref_slice %arg15[%mul3A_97] : memref<8000xf32, #tpu.memory_space<vmem>> -> memref<4000xf32, #tpu.memory_space<vmem>>
      %dma_wait3A_114 = tpu.memref_slice %arg5[%add3A_89] : memref<3200000xf32, #tpu.memory_space<hbm>> -> memref<4000xf32, #tpu.memory_space<hbm>>
      tpu.wait_dma2 semaphore(%arg21 : memref<!tpu.dma_semaphore, #tpu.memory_space<semaphore_mem>>) src(%dma_wait3A_114 : memref<4000xf32, #tpu.memory_space<hbm>>) dst(%dma_wait3A_113 : memref<4000xf32, #tpu.memory_space<vmem>>)
      %dma_wait3A_115 = tpu.memref_slice %arg16[%mul3A_99] : memref<8032xi32, #tpu.memory_space<vmem>> -> memref<4000xi32, #tpu.memory_space<vmem>>
      %dma_wait3A_116 = tpu.memref_slice %arg6[%add3A_89] : memref<3200000xi32, #tpu.memory_space<hbm>> -> memref<4000xi32, #tpu.memory_space<hbm>>
      %dma_wait3A_117 = tpu.memref_slice %arg16[%mul3A_99] : memref<8032xi32, #tpu.memory_space<vmem>> -> memref<4000xi32, #tpu.memory_space<vmem>>
      %dma_wait3A_118 = tpu.memref_slice %arg6[%add3A_89] : memref<3200000xi32, #tpu.memory_space<hbm>> -> memref<4000xi32, #tpu.memory_space<hbm>>
      tpu.wait_dma2 semaphore(%arg21 : memref<!tpu.dma_semaphore, #tpu.memory_space<semaphore_mem>>) src(%dma_wait3A_118 : memref<4000xi32, #tpu.memory_space<hbm>>) dst(%dma_wait3A_117 : memref<4000xi32, #tpu.memory_space<vmem>>)
      %add3A_119 = arith.constant 1 : i32
      %add3A_120 = arith.addi %scan3A_81, %add3A_119 : i32
      %lt3A = arith.constant 25 : i32
      %lt3A_121 = arith.cmpi slt, %add3A_120, %lt3A : i32
      %convert_element_type3A = arith.extui %lt3A_121 : i1 to i32
      %cond3A = arith.constant 0 : i32
      %cond3A_122 = arith.cmpi ne, %convert_element_type3A, %cond3A : i32
      scf.if %cond3A_122 {
        %add3A_180 = arith.constant 1 : i32
        %add3A_181 = arith.addi %scan3A_81, %add3A_180 : i32
        %sub3A_182 = arith.constant 1 : i32
        %sub3A_183 = arith.subi %sub3A_182, %rem3A_82 : i32
        %mul3A_184 = arith.constant 100000 : i32
        %mul3A_185 = arith.muli %add3A, %mul3A_184 : i32
        %mul3A_186 = arith.constant 4000 : i32
        %mul3A_187 = arith.muli %add3A_181, %mul3A_186 : i32
        %add3A_188 = arith.addi %mul3A_185, %mul3A_187 : i32
        %mul3A_189 = arith.constant 4000 : i32
        %mul3A_190 = arith.muli %sub3A_183, %mul3A_189 : i32
        %mul3A_191 = arith.constant 4000 : i32
        %mul3A_192 = arith.muli %sub3A_183, %mul3A_191 : i32
        %mul3A_193 = arith.constant 4000 : i32
        %mul3A_194 = arith.muli %sub3A_183, %mul3A_193 : i32
        %mul3A_195 = arith.constant 4000 : i32
        %mul3A_196 = arith.muli %sub3A_183, %mul3A_195 : i32
        %mul3A_197 = arith.constant 4016 : i32
        %mul3A_198 = arith.muli %sub3A_183, %mul3A_197 : i32
        %dma_start3A_199 = tpu.memref_slice %arg12[%mul3A_190] : memref<8000xf32, #tpu.memory_space<vmem>> -> memref<4000xf32, #tpu.memory_space<vmem>>
        %dma_start3A_200 = tpu.memref_slice %arg2[%add3A_188] : memref<3200000xf32, #tpu.memory_space<hbm>> -> memref<4000xf32, #tpu.memory_space<hbm>>
        %dma_start3A_201 = tpu.memref_slice %arg12[%mul3A_190] : memref<8000xf32, #tpu.memory_space<vmem>> -> memref<4000xf32, #tpu.memory_space<vmem>>
        %dma_start3A_202 = tpu.memref_slice %arg2[%add3A_188] : memref<3200000xf32, #tpu.memory_space<hbm>> -> memref<4000xf32, #tpu.memory_space<hbm>>
        tpu.enqueue_dma source(%dma_start3A_202 : memref<4000xf32, #tpu.memory_space<hbm>>) target(%dma_start3A_201 : memref<4000xf32, #tpu.memory_space<vmem>>) target_semaphore(%arg21 : memref<!tpu.dma_semaphore, #tpu.memory_space<semaphore_mem>>)
        %dma_start3A_203 = tpu.memref_slice %arg13[%mul3A_192] : memref<8000xf32, #tpu.memory_space<vmem>> -> memref<4000xf32, #tpu.memory_space<vmem>>
        %dma_start3A_204 = tpu.memref_slice %arg3[%add3A_188] : memref<3200000xf32, #tpu.memory_space<hbm>> -> memref<4000xf32, #tpu.memory_space<hbm>>
        %dma_start3A_205 = tpu.memref_slice %arg13[%mul3A_192] : memref<8000xf32, #tpu.memory_space<vmem>> -> memref<4000xf32, #tpu.memory_space<vmem>>
        %dma_start3A_206 = tpu.memref_slice %arg3[%add3A_188] : memref<3200000xf32, #tpu.memory_space<hbm>> -> memref<4000xf32, #tpu.memory_space<hbm>>
        tpu.enqueue_dma source(%dma_start3A_206 : memref<4000xf32, #tpu.memory_space<hbm>>) target(%dma_start3A_205 : memref<4000xf32, #tpu.memory_space<vmem>>) target_semaphore(%arg21 : memref<!tpu.dma_semaphore, #tpu.memory_space<semaphore_mem>>)
        %dma_start3A_207 = tpu.memref_slice %arg14[%mul3A_194] : memref<8000xf32, #tpu.memory_space<vmem>> -> memref<4000xf32, #tpu.memory_space<vmem>>
        %dma_start3A_208 = tpu.memref_slice %arg4[%add3A_188] : memref<3200000xf32, #tpu.memory_space<hbm>> -> memref<4000xf32, #tpu.memory_space<hbm>>
        %dma_start3A_209 = tpu.memref_slice %arg14[%mul3A_194] : memref<8000xf32, #tpu.memory_space<vmem>> -> memref<4000xf32, #tpu.memory_space<vmem>>
        %dma_start3A_210 = tpu.memref_slice %arg4[%add3A_188] : memref<3200000xf32, #tpu.memory_space<hbm>> -> memref<4000xf32, #tpu.memory_space<hbm>>
        tpu.enqueue_dma source(%dma_start3A_210 : memref<4000xf32, #tpu.memory_space<hbm>>) target(%dma_start3A_209 : memref<4000xf32, #tpu.memory_space<vmem>>) target_semaphore(%arg21 : memref<!tpu.dma_semaphore, #tpu.memory_space<semaphore_mem>>)
        %dma_start3A_211 = tpu.memref_slice %arg15[%mul3A_196] : memref<8000xf32, #tpu.memory_space<vmem>> -> memref<4000xf32, #tpu.memory_space<vmem>>
        %dma_start3A_212 = tpu.memref_slice %arg5[%add3A_188] : memref<3200000xf32, #tpu.memory_space<hbm>> -> memref<4000xf32, #tpu.memory_space<hbm>>
        %dma_start3A_213 = tpu.memref_slice %arg15[%mul3A_196] : memref<8000xf32, #tpu.memory_space<vmem>> -> memref<4000xf32, #tpu.memory_space<vmem>>
        %dma_start3A_214 = tpu.memref_slice %arg5[%add3A_188] : memref<3200000xf32, #tpu.memory_space<hbm>> -> memref<4000xf32, #tpu.memory_space<hbm>>
        tpu.enqueue_dma source(%dma_start3A_214 : memref<4000xf32, #tpu.memory_space<hbm>>) target(%dma_start3A_213 : memref<4000xf32, #tpu.memory_space<vmem>>) target_semaphore(%arg21 : memref<!tpu.dma_semaphore, #tpu.memory_space<semaphore_mem>>)
        %dma_start3A_215 = tpu.memref_slice %arg16[%mul3A_198] : memref<8032xi32, #tpu.memory_space<vmem>> -> memref<4000xi32, #tpu.memory_space<vmem>>
        %dma_start3A_216 = tpu.memref_slice %arg6[%add3A_188] : memref<3200000xi32, #tpu.memory_space<hbm>> -> memref<4000xi32, #tpu.memory_space<hbm>>
        %dma_start3A_217 = tpu.memref_slice %arg16[%mul3A_198] : memref<8032xi32, #tpu.memory_space<vmem>> -> memref<4000xi32, #tpu.memory_space<vmem>>
        %dma_start3A_218 = tpu.memref_slice %arg6[%add3A_188] : memref<3200000xi32, #tpu.memory_space<hbm>> -> memref<4000xi32, #tpu.memory_space<hbm>>
        tpu.enqueue_dma source(%dma_start3A_218 : memref<4000xi32, #tpu.memory_space<hbm>>) target(%dma_start3A_217 : memref<4000xi32, #tpu.memory_space<vmem>>) target_semaphore(%arg21 : memref<!tpu.dma_semaphore, #tpu.memory_space<semaphore_mem>>)
      } else {
      }
      %add3A_123 = arith.constant 4000 : i32
      %add3A_124 = arith.addi %mul3A_84, %add3A_123 : i32
      %add3A_125 = vector.broadcast %add3A_124 : i32 to vector<16xi32>
      %add3A_126 = arith.addi %add3A_125, %iota3A : vector<16xi32>
      tpu.vector_store_idx %arg16[%add3A_126], %broadcast_in_dim3A_3 : memref<8032xi32, #tpu.memory_space<vmem>>[vector<16xi32>], vector<16xi32>,
      %parallel_loop3A = arith.constant 0 : i32
      %parallel_loop3A_127 = arith.constant 250 : i32
      %parallel_loop3A_128 = arith.constant 1 : i32
      %parallel_loop3A_129 = arith.constant 0 : i32
      %parallel_loop3A_130 = arith.constant 0.000000e+00 : f32
      %parallel_loop3A_131 = arith.constant 0.000000e+00 : f32
      %parallel_loop3A_132 = arith.constant 0.000000e+00 : f32
      %parallel_loop3A_133:4 = scf.for %parallel_loop3A_180 = %parallel_loop3A to %parallel_loop3A_127 step %parallel_loop3A_128 iter_args(%parallel_loop3A_181 = %parallel_loop3A_129, %parallel_loop3A_182 = %parallel_loop3A_130, %parallel_loop3A_183 = %parallel_loop3A_131, %parallel_loop3A_184 = %parallel_loop3A_132) -> (i32, f32, f32, f32)  : i32 {
        %parallel_loop3A_185 = arith.constant 16 : i32
        %parallel_loop3A_186 = arith.muli %parallel_loop3A_180, %parallel_loop3A_185 : i32
        %parallel_loop3A_187 = arith.addi %mul3A_84, %parallel_loop3A_186 : i32
        %parallel_loop3A_188 = arith.index_cast %parallel_loop3A_187 : i32 to index
        %parallel_loop3A_189 = tpu.vector_load %arg16[%parallel_loop3A_188] {strides = array<i32>} : memref<8032xi32, #tpu.memory_space<vmem>>, vector<16xi32>,
        %parallel_loop3A_190 = arith.addi %mul3A_84, %parallel_loop3A_186 : i32
        %parallel_loop3A_191 = arith.constant 1 : i32
        %parallel_loop3A_192 = arith.addi %parallel_loop3A_190, %parallel_loop3A_191 : i32
        %parallel_loop3A_193 = vector.broadcast %parallel_loop3A_192 : i32 to vector<16xi32>
        %parallel_loop3A_194 = arith.addi %parallel_loop3A_193, %iota3A : vector<16xi32>
        %parallel_loop3A_195 = tpu.vector_load_idx %arg16[%parallel_loop3A_194] : memref<8032xi32, #tpu.memory_space<vmem>>[vector<16xi32>], vector<16xi32>,
        %parallel_loop3A_196 = arith.constant 4000 : i32
        %parallel_loop3A_197 = arith.muli %rem3A_82, %parallel_loop3A_196 : i32
        %parallel_loop3A_198 = arith.addi %parallel_loop3A_197, %parallel_loop3A_186 : i32
        %parallel_loop3A_199 = arith.index_cast %parallel_loop3A_198 : i32 to index
        %parallel_loop3A_200 = tpu.vector_load %arg15[%parallel_loop3A_199] {strides = array<i32>} : memref<8000xf32, #tpu.memory_space<vmem>>, vector<16xf32>,
        %parallel_loop3A_201 = arith.cmpi ne, %parallel_loop3A_189, %parallel_loop3A_195 : vector<16xi32>
        %parallel_loop3A_202 = arith.extui %parallel_loop3A_201 : vector<16xi1> to vector<16xi32>
        %parallel_loop3A_203 = arith.constant true
        %parallel_loop3A_204 = vector.broadcast %parallel_loop3A_203 : i1 to vector<16xi1>
        %parallel_loop3A_205 = tpu.scan <sum>, %parallel_loop3A_202 masked %parallel_loop3A_204 : vector<16xi32>, vector<16xi1> -> vector<16xi32>
        %parallel_loop3A_206 = vector.extract %parallel_loop3A_205[15] : i32 from vector<16xi32>
        %parallel_loop3A_207 = arith.constant true
        %parallel_loop3A_208 = vector.broadcast %parallel_loop3A_207 : i1 to vector<16xi1>
        %parallel_loop3A_209 = tpu.scan <sum>, %parallel_loop3A_202 masked %parallel_loop3A_208 : vector<16xi32>, vector<16xi1> -> vector<16xi32>
        %parallel_loop3A_210 = vector.broadcast %parallel_loop3A_181 : i32 to vector<16xi32>
        %parallel_loop3A_211 = arith.addi %parallel_loop3A_210, %parallel_loop3A_209 : vector<16xi32>
        %parallel_loop3A_212 = arith.subi %parallel_loop3A_211, %parallel_loop3A_202 : vector<16xi32>
        %parallel_loop3A_213 = vector.broadcast %parallel_loop3A_206 : i32 to vector<16xi32>
        %parallel_loop3A_214 = arith.addi %parallel_loop3A_212, %parallel_loop3A_213 : vector<16xi32>
        tpu.vector_store_idx %arg17[%parallel_loop3A_212], %parallel_loop3A_189 masked %parallel_loop3A_201 : memref<8032xi32, #tpu.memory_space<vmem>>[vector<16xi32>], vector<16xi32>, vector<16xi1>
        tpu.vector_store_idx %arg17[%parallel_loop3A_214], %parallel_loop3A_195 masked %parallel_loop3A_201 : memref<8032xi32, #tpu.memory_space<vmem>>[vector<16xi32>], vector<16xi32>, vector<16xi1>
        %parallel_loop3A_215 = arith.constant 4000 : i32
        %parallel_loop3A_216 = arith.muli %rem3A_82, %parallel_loop3A_215 : i32
        %parallel_loop3A_217 = arith.addi %parallel_loop3A_216, %parallel_loop3A_186 : i32
        %parallel_loop3A_218 = arith.index_cast %parallel_loop3A_217 : i32 to index
        %parallel_loop3A_219 = tpu.vector_load %arg12[%parallel_loop3A_218] {strides = array<i32>} : memref<8000xf32, #tpu.memory_space<vmem>>, vector<16xf32>,
        %parallel_loop3A_220 = arith.mulf %parallel_loop3A_200, %parallel_loop3A_219 : vector<16xf32>
        %parallel_loop3A_221 = arith.constant true
        %parallel_loop3A_222 = vector.broadcast %parallel_loop3A_221 : i1 to vector<16xi1>
        %parallel_loop3A_223 = tpu.scan <sum>, %parallel_loop3A_220 masked %parallel_loop3A_222 : vector<16xf32>, vector<16xi1> -> vector<16xf32>
        %parallel_loop3A_224 = vector.broadcast %parallel_loop3A_182 : f32 to vector<16xf32>
        %parallel_loop3A_225 = arith.addf %parallel_loop3A_223, %parallel_loop3A_224 : vector<16xf32>
        tpu.vector_store_idx %arg18[%parallel_loop3A_212], %parallel_loop3A_225 masked %parallel_loop3A_201 : memref<8032xf32, #tpu.memory_space<vmem>>[vector<16xi32>], vector<16xf32>, vector<16xi1>
        %parallel_loop3A_226 = arith.constant 0.000000e+00 : f32
        %parallel_loop3A_227 = vector.broadcast %parallel_loop3A_226 : f32 to vector<16xf32>
        %parallel_loop3A_228 = arith.subf %parallel_loop3A_227, %parallel_loop3A_225 : vector<16xf32>
        tpu.vector_store_idx %arg18[%parallel_loop3A_214], %parallel_loop3A_228 masked %parallel_loop3A_201 : memref<8032xf32, #tpu.memory_space<vmem>>[vector<16xi32>], vector<16xf32>, vector<16xi1>
        %parallel_loop3A_229 = arith.constant true
        %parallel_loop3A_230 = vector.broadcast %parallel_loop3A_229 : i1 to vector<16xi1>
        %parallel_loop3A_231 = tpu.scan <sum>, %parallel_loop3A_220 masked %parallel_loop3A_230 : vector<16xf32>, vector<16xi1> -> vector<16xf32>
        %parallel_loop3A_232 = vector.extract %parallel_loop3A_231[15] : f32 from vector<16xf32>
        %parallel_loop3A_233 = arith.addf %parallel_loop3A_182, %parallel_loop3A_232 : f32
        %parallel_loop3A_234 = arith.constant 4000 : i32
        %parallel_loop3A_235 = arith.muli %rem3A_82, %parallel_loop3A_234 : i32
        %parallel_loop3A_236 = arith.addi %parallel_loop3A_235, %parallel_loop3A_186 : i32
        %parallel_loop3A_237 = arith.index_cast %parallel_loop3A_236 : i32 to index
        %parallel_loop3A_238 = tpu.vector_load %arg13[%parallel_loop3A_237] {strides = array<i32>} : memref<8000xf32, #tpu.memory_space<vmem>>, vector<16xf32>,
        %parallel_loop3A_239 = arith.mulf %parallel_loop3A_200, %parallel_loop3A_238 : vector<16xf32>
        %parallel_loop3A_240 = arith.constant true
        %parallel_loop3A_241 = vector.broadcast %parallel_loop3A_240 : i1 to vector<16xi1>
        %parallel_loop3A_242 = tpu.scan <sum>, %parallel_loop3A_239 masked %parallel_loop3A_241 : vector<16xf32>, vector<16xi1> -> vector<16xf32>
        %parallel_loop3A_243 = vector.broadcast %parallel_loop3A_183 : f32 to vector<16xf32>
        %parallel_loop3A_244 = arith.addf %parallel_loop3A_242, %parallel_loop3A_243 : vector<16xf32>
        tpu.vector_store_idx %arg19[%parallel_loop3A_212], %parallel_loop3A_244 masked %parallel_loop3A_201 : memref<8032xf32, #tpu.memory_space<vmem>>[vector<16xi32>], vector<16xf32>, vector<16xi1>
        %parallel_loop3A_245 = arith.constant 0.000000e+00 : f32
        %parallel_loop3A_246 = vector.broadcast %parallel_loop3A_245 : f32 to vector<16xf32>
        %parallel_loop3A_247 = arith.subf %parallel_loop3A_246, %parallel_loop3A_244 : vector<16xf32>
        tpu.vector_store_idx %arg19[%parallel_loop3A_214], %parallel_loop3A_247 masked %parallel_loop3A_201 : memref<8032xf32, #tpu.memory_space<vmem>>[vector<16xi32>], vector<16xf32>, vector<16xi1>
        %parallel_loop3A_248 = arith.constant true
        %parallel_loop3A_249 = vector.broadcast %parallel_loop3A_248 : i1 to vector<16xi1>
        %parallel_loop3A_250 = tpu.scan <sum>, %parallel_loop3A_239 masked %parallel_loop3A_249 : vector<16xf32>, vector<16xi1> -> vector<16xf32>
        %parallel_loop3A_251 = vector.extract %parallel_loop3A_250[15] : f32 from vector<16xf32>
        %parallel_loop3A_252 = arith.addf %parallel_loop3A_183, %parallel_loop3A_251 : f32
        %parallel_loop3A_253 = arith.constant 4000 : i32
        %parallel_loop3A_254 = arith.muli %rem3A_82, %parallel_loop3A_253 : i32
        %parallel_loop3A_255 = arith.addi %parallel_loop3A_254, %parallel_loop3A_186 : i32
        %parallel_loop3A_256 = arith.index_cast %parallel_loop3A_255 : i32 to index
        %parallel_loop3A_257 = tpu.vector_load %arg14[%parallel_loop3A_256] {strides = array<i32>} : memref<8000xf32, #tpu.memory_space<vmem>>, vector<16xf32>,
        %parallel_loop3A_258 = arith.mulf %parallel_loop3A_200, %parallel_loop3A_257 : vector<16xf32>
        %parallel_loop3A_259 = arith.constant true
        %parallel_loop3A_260 = vector.broadcast %parallel_loop3A_259 : i1 to vector<16xi1>
        %parallel_loop3A_261 = tpu.scan <sum>, %parallel_loop3A_258 masked %parallel_loop3A_260 : vector<16xf32>, vector<16xi1> -> vector<16xf32>
        %parallel_loop3A_262 = vector.broadcast %parallel_loop3A_184 : f32 to vector<16xf32>
        %parallel_loop3A_263 = arith.addf %parallel_loop3A_261, %parallel_loop3A_262 : vector<16xf32>
        tpu.vector_store_idx %arg20[%parallel_loop3A_212], %parallel_loop3A_263 masked %parallel_loop3A_201 : memref<8032xf32, #tpu.memory_space<vmem>>[vector<16xi32>], vector<16xf32>, vector<16xi1>
        %parallel_loop3A_264 = arith.constant 0.000000e+00 : f32
        %parallel_loop3A_265 = vector.broadcast %parallel_loop3A_264 : f32 to vector<16xf32>
        %parallel_loop3A_266 = arith.subf %parallel_loop3A_265, %parallel_loop3A_263 : vector<16xf32>
        tpu.vector_store_idx %arg20[%parallel_loop3A_214], %parallel_loop3A_266 masked %parallel_loop3A_201 : memref<8032xf32, #tpu.memory_space<vmem>>[vector<16xi32>], vector<16xf32>, vector<16xi1>
        %parallel_loop3A_267 = arith.constant true
        %parallel_loop3A_268 = vector.broadcast %parallel_loop3A_267 : i1 to vector<16xi1>
        %parallel_loop3A_269 = tpu.scan <sum>, %parallel_loop3A_258 masked %parallel_loop3A_268 : vector<16xf32>, vector<16xi1> -> vector<16xf32>
        %parallel_loop3A_270 = vector.extract %parallel_loop3A_269[15] : f32 from vector<16xf32>
        %parallel_loop3A_271 = arith.addf %parallel_loop3A_184, %parallel_loop3A_270 : f32
        %parallel_loop3A_272 = arith.constant 2 : i32
        %parallel_loop3A_273 = arith.muli %parallel_loop3A_272, %parallel_loop3A_206 : i32
        %parallel_loop3A_274 = arith.addi %parallel_loop3A_181, %parallel_loop3A_273 : i32
        scf.yield %parallel_loop3A_274, %parallel_loop3A_233, %parallel_loop3A_252, %parallel_loop3A_271 : i32, f32, f32, f32
      } {sc.loop_unroll_factor = 4 : i64, sc.parallel_access}
      %add3A_134 = vector.broadcast %parallel_loop3A_133#0 : i32 to vector<16xi32>
      %add3A_135 = arith.addi %add3A_134, %iota3A : vector<16xi32>
      tpu.vector_store_idx %arg17[%add3A_135], %broadcast_in_dim3A_3 : memref<8032xi32, #tpu.memory_space<vmem>>[vector<16xi32>], vector<16xi32>,
      %add3A_136 = arith.constant 16 : i32
      %add3A_137 = arith.addi %parallel_loop3A_133#0, %add3A_136 : i32
      %add3A_138 = vector.broadcast %add3A_137 : i32 to vector<16xi32>
      %add3A_139 = arith.addi %add3A_138, %iota3A : vector<16xi32>
      tpu.vector_store_idx %arg17[%add3A_139], %broadcast_in_dim3A_3 : memref<8032xi32, #tpu.memory_space<vmem>>[vector<16xi32>], vector<16xi32>,
      %add3A_140 = arith.constant 16 : i32
      %add3A_141 = arith.addi %parallel_loop3A_133#0, %add3A_140 : i32
      %sub3A = arith.constant 1 : i32
      %sub3A_142 = arith.subi %add3A_141, %sub3A : i32
      %jit3A = arith.constant 16 : i32
      %div3A = arith.divsi %sub3A_142, %jit3A : i32
      %sign3A = arith.constant 0 : i32
      %sign3A_143 = arith.cmpi sgt, %sub3A_142, %sign3A : i32
      %sign3A_144 = arith.extui %sign3A_143 : i1 to i32
      %sign3A_145 = arith.constant 0 : i32
      %sign3A_146 = arith.cmpi slt, %sub3A_142, %sign3A_145 : i32
      %sign3A_147 = arith.extui %sign3A_146 : i1 to i32
      %sign3A_148 = arith.subi %sign3A_144, %sign3A_147 : i32
      %sign3A_149 = arith.constant 0 : i32
      %sign3A_150 = arith.cmpi sgt, %jit3A, %sign3A_149 : i32
      %sign3A_151 = arith.extui %sign3A_150 : i1 to i32
      %sign3A_152 = arith.constant 0 : i32
      %sign3A_153 = arith.cmpi slt, %jit3A, %sign3A_152 : i32
      %sign3A_154 = arith.extui %sign3A_153 : i1 to i32
      %sign3A_155 = arith.subi %sign3A_151, %sign3A_154 : i32
      %ne3A = arith.cmpi ne, %sign3A_148, %sign3A_155 : i32
      %rem3A_156 = arith.remsi %sub3A_142, %jit3A : i32
      %ne3A_157 = arith.constant 0 : i32
      %ne3A_158 = arith.cmpi ne, %rem3A_156, %ne3A_157 : i32
      %and3A = arith.andi %ne3A, %ne3A_158 : i1
      %sub3A_159 = arith.constant 1 : i32
      %sub3A_160 = arith.subi %div3A, %sub3A_159 : i32
      %select_n3A = arith.select %and3A, %sub3A_160, %div3A : i32
      %while3A = arith.constant 0 : i32
      %while3A_161 = arith.constant 0 : i32
      %while3A_162 = arith.subi %select_n3A, %while3A_161 : i32
      %while3A_163 = arith.addi %while3A_161, %while3A_162 : i32
      %while3A_164 = arith.constant 1 : i32
      %while3A_165 = arith.divsi %while3A_162, %while3A_164 : i32
      %while3A_166 = arith.muli %while3A_165, %while3A_164 : i32
      %while3A_167 = arith.addi %while3A_161, %while3A_166 : i32
      %while3A_168 = arith.constant 1 : i32
      scf.for %while3A_180 = %while3A_161 to %while3A_167 step %while3A_168  : i32 {
        %mul3A_181 = arith.constant 16 : i32
        %mul3A_182 = arith.muli %while3A_180, %mul3A_181 : i32
        %get3A = arith.index_cast %mul3A_182 : i32 to index
        %get3A_183 = tpu.vector_load %arg17[%get3A] {strides = array<i32>} : memref<8032xi32, #tpu.memory_space<vmem>>, vector<16xi32>,
        %dma_start3A_184 = tpu.memref_slice %arg18[%mul3A_182] : memref<8032xf32, #tpu.memory_space<vmem>> -> memref<16xf32, #tpu.memory_space<vmem>>
        %dma_start3A_185 = arith.constant 0 : i32
        %dma_start3A_186 = tpu.memref_slice %arg8[%dma_start3A_185] : memref<100352xf32, #tpu.memory_space<vmem_shared>> -> memref<100352xf32, #tpu.memory_space<vmem_shared>>
        tpu.enqueue_indirect_dma source(%dma_start3A_184 : memref<16xf32, #tpu.memory_space<vmem>>) target(%dma_start3A_186 : memref<100352xf32, #tpu.memory_space<vmem_shared>>) offsets(%get3A_183 : vector<16xi32>) semaphore(%arg22 : memref<!tpu.dma_semaphore, #tpu.memory_space<semaphore_mem>>) {add = true}
        %dma_start3A_187 = tpu.memref_slice %arg19[%mul3A_182] : memref<8032xf32, #tpu.memory_space<vmem>> -> memref<16xf32, #tpu.memory_space<vmem>>
        %dma_start3A_188 = arith.constant 0 : i32
        %dma_start3A_189 = tpu.memref_slice %arg9[%dma_start3A_188] : memref<100352xf32, #tpu.memory_space<vmem_shared>> -> memref<100352xf32, #tpu.memory_space<vmem_shared>>
        tpu.enqueue_indirect_dma source(%dma_start3A_187 : memref<16xf32, #tpu.memory_space<vmem>>) target(%dma_start3A_189 : memref<100352xf32, #tpu.memory_space<vmem_shared>>) offsets(%get3A_183 : vector<16xi32>) semaphore(%arg22 : memref<!tpu.dma_semaphore, #tpu.memory_space<semaphore_mem>>) {add = true}
        %dma_start3A_190 = tpu.memref_slice %arg20[%mul3A_182] : memref<8032xf32, #tpu.memory_space<vmem>> -> memref<16xf32, #tpu.memory_space<vmem>>
        %dma_start3A_191 = arith.constant 0 : i32
        %dma_start3A_192 = tpu.memref_slice %arg10[%dma_start3A_191] : memref<100352xf32, #tpu.memory_space<vmem_shared>> -> memref<100352xf32, #tpu.memory_space<vmem_shared>>
        tpu.enqueue_indirect_dma source(%dma_start3A_190 : memref<16xf32, #tpu.memory_space<vmem>>) target(%dma_start3A_192 : memref<100352xf32, #tpu.memory_space<vmem_shared>>) offsets(%get3A_183 : vector<16xi32>) semaphore(%arg22 : memref<!tpu.dma_semaphore, #tpu.memory_space<semaphore_mem>>) {add = true}
      }
      %while3A_169 = arith.constant 1 : i32
      scf.for %while3A_180 = %while3A_167 to %while3A_163 step %while3A_169  : i32 {
        %mul3A_181 = arith.constant 16 : i32
        %mul3A_182 = arith.muli %while3A_180, %mul3A_181 : i32
        %get3A = arith.index_cast %mul3A_182 : i32 to index
        %get3A_183 = tpu.vector_load %arg17[%get3A] {strides = array<i32>} : memref<8032xi32, #tpu.memory_space<vmem>>, vector<16xi32>,
        %dma_start3A_184 = tpu.memref_slice %arg18[%mul3A_182] : memref<8032xf32, #tpu.memory_space<vmem>> -> memref<16xf32, #tpu.memory_space<vmem>>
        %dma_start3A_185 = arith.constant 0 : i32
        %dma_start3A_186 = tpu.memref_slice %arg8[%dma_start3A_185] : memref<100352xf32, #tpu.memory_space<vmem_shared>> -> memref<100352xf32, #tpu.memory_space<vmem_shared>>
        tpu.enqueue_indirect_dma source(%dma_start3A_184 : memref<16xf32, #tpu.memory_space<vmem>>) target(%dma_start3A_186 : memref<100352xf32, #tpu.memory_space<vmem_shared>>) offsets(%get3A_183 : vector<16xi32>) semaphore(%arg22 : memref<!tpu.dma_semaphore, #tpu.memory_space<semaphore_mem>>) {add = true}
        %dma_start3A_187 = tpu.memref_slice %arg19[%mul3A_182] : memref<8032xf32, #tpu.memory_space<vmem>> -> memref<16xf32, #tpu.memory_space<vmem>>
        %dma_start3A_188 = arith.constant 0 : i32
        %dma_start3A_189 = tpu.memref_slice %arg9[%dma_start3A_188] : memref<100352xf32, #tpu.memory_space<vmem_shared>> -> memref<100352xf32, #tpu.memory_space<vmem_shared>>
        tpu.enqueue_indirect_dma source(%dma_start3A_187 : memref<16xf32, #tpu.memory_space<vmem>>) target(%dma_start3A_189 : memref<100352xf32, #tpu.memory_space<vmem_shared>>) offsets(%get3A_183 : vector<16xi32>) semaphore(%arg22 : memref<!tpu.dma_semaphore, #tpu.memory_space<semaphore_mem>>) {add = true}
        %dma_start3A_190 = tpu.memref_slice %arg20[%mul3A_182] : memref<8032xf32, #tpu.memory_space<vmem>> -> memref<16xf32, #tpu.memory_space<vmem>>
        %dma_start3A_191 = arith.constant 0 : i32
        %dma_start3A_192 = tpu.memref_slice %arg10[%dma_start3A_191] : memref<100352xf32, #tpu.memory_space<vmem_shared>> -> memref<100352xf32, #tpu.memory_space<vmem_shared>>
        tpu.enqueue_indirect_dma source(%dma_start3A_190 : memref<16xf32, #tpu.memory_space<vmem>>) target(%dma_start3A_192 : memref<100352xf32, #tpu.memory_space<vmem_shared>>) offsets(%get3A_183 : vector<16xi32>) semaphore(%arg22 : memref<!tpu.dma_semaphore, #tpu.memory_space<semaphore_mem>>) {add = true}
      }
      %while3A_170 = arith.constant 0 : i32
      %while3A_171 = arith.constant 0 : i32
      %while3A_172 = arith.subi %select_n3A, %while3A_171 : i32
      %while3A_173 = arith.addi %while3A_171, %while3A_172 : i32
      %while3A_174 = arith.constant 1 : i32
      %while3A_175 = arith.divsi %while3A_172, %while3A_174 : i32
      %while3A_176 = arith.muli %while3A_175, %while3A_174 : i32
      %while3A_177 = arith.addi %while3A_171, %while3A_176 : i32
      %while3A_178 = arith.constant 1 : i32
      scf.for %while3A_180 = %while3A_171 to %while3A_177 step %while3A_178  : i32 {
        %mul3A_181 = arith.constant 16 : i32
        %mul3A_182 = arith.muli %while3A_180, %mul3A_181 : i32
        %get3A = arith.index_cast %mul3A_182 : i32 to index
        %get3A_183 = tpu.vector_load %arg17[%get3A] {strides = array<i32>} : memref<8032xi32, #tpu.memory_space<vmem>>, vector<16xi32>,
        %dma_wait3A_184 = tpu.memref_slice %arg18[%mul3A_182] : memref<8032xf32, #tpu.memory_space<vmem>> -> memref<16xf32, #tpu.memory_space<vmem>>
        %dma_wait3A_185 = arith.constant 0 : i32
        %dma_wait3A_186 = tpu.memref_slice %arg8[%dma_wait3A_185] : memref<100352xf32, #tpu.memory_space<vmem_shared>> -> memref<100352xf32, #tpu.memory_space<vmem_shared>>
        tpu.wait_indirect_dma semaphore(%arg22 : memref<!tpu.dma_semaphore, #tpu.memory_space<semaphore_mem>>) src(%dma_wait3A_184 : memref<16xf32, #tpu.memory_space<vmem>>) dst(%dma_wait3A_186 : memref<100352xf32, #tpu.memory_space<vmem_shared>>)
        %dma_wait3A_187 = tpu.memref_slice %arg19[%mul3A_182] : memref<8032xf32, #tpu.memory_space<vmem>> -> memref<16xf32, #tpu.memory_space<vmem>>
        %dma_wait3A_188 = arith.constant 0 : i32
        %dma_wait3A_189 = tpu.memref_slice %arg9[%dma_wait3A_188] : memref<100352xf32, #tpu.memory_space<vmem_shared>> -> memref<100352xf32, #tpu.memory_space<vmem_shared>>
        tpu.wait_indirect_dma semaphore(%arg22 : memref<!tpu.dma_semaphore, #tpu.memory_space<semaphore_mem>>) src(%dma_wait3A_187 : memref<16xf32, #tpu.memory_space<vmem>>) dst(%dma_wait3A_189 : memref<100352xf32, #tpu.memory_space<vmem_shared>>)
        %dma_wait3A_190 = tpu.memref_slice %arg20[%mul3A_182] : memref<8032xf32, #tpu.memory_space<vmem>> -> memref<16xf32, #tpu.memory_space<vmem>>
        %dma_wait3A_191 = arith.constant 0 : i32
        %dma_wait3A_192 = tpu.memref_slice %arg10[%dma_wait3A_191] : memref<100352xf32, #tpu.memory_space<vmem_shared>> -> memref<100352xf32, #tpu.memory_space<vmem_shared>>
        tpu.wait_indirect_dma semaphore(%arg22 : memref<!tpu.dma_semaphore, #tpu.memory_space<semaphore_mem>>) src(%dma_wait3A_190 : memref<16xf32, #tpu.memory_space<vmem>>) dst(%dma_wait3A_192 : memref<100352xf32, #tpu.memory_space<vmem_shared>>)
      }
      %while3A_179 = arith.constant 1 : i32
      scf.for %while3A_180 = %while3A_177 to %while3A_173 step %while3A_179  : i32 {
        %mul3A_181 = arith.constant 16 : i32
        %mul3A_182 = arith.muli %while3A_180, %mul3A_181 : i32
        %get3A = arith.index_cast %mul3A_182 : i32 to index
        %get3A_183 = tpu.vector_load %arg17[%get3A] {strides = array<i32>} : memref<8032xi32, #tpu.memory_space<vmem>>, vector<16xi32>,
        %dma_wait3A_184 = tpu.memref_slice %arg18[%mul3A_182] : memref<8032xf32, #tpu.memory_space<vmem>> -> memref<16xf32, #tpu.memory_space<vmem>>
        %dma_wait3A_185 = arith.constant 0 : i32
        %dma_wait3A_186 = tpu.memref_slice %arg8[%dma_wait3A_185] : memref<100352xf32, #tpu.memory_space<vmem_shared>> -> memref<100352xf32, #tpu.memory_space<vmem_shared>>
        tpu.wait_indirect_dma semaphore(%arg22 : memref<!tpu.dma_semaphore, #tpu.memory_space<semaphore_mem>>) src(%dma_wait3A_184 : memref<16xf32, #tpu.memory_space<vmem>>) dst(%dma_wait3A_186 : memref<100352xf32, #tpu.memory_space<vmem_shared>>)
        %dma_wait3A_187 = tpu.memref_slice %arg19[%mul3A_182] : memref<8032xf32, #tpu.memory_space<vmem>> -> memref<16xf32, #tpu.memory_space<vmem>>
        %dma_wait3A_188 = arith.constant 0 : i32
        %dma_wait3A_189 = tpu.memref_slice %arg9[%dma_wait3A_188] : memref<100352xf32, #tpu.memory_space<vmem_shared>> -> memref<100352xf32, #tpu.memory_space<vmem_shared>>
        tpu.wait_indirect_dma semaphore(%arg22 : memref<!tpu.dma_semaphore, #tpu.memory_space<semaphore_mem>>) src(%dma_wait3A_187 : memref<16xf32, #tpu.memory_space<vmem>>) dst(%dma_wait3A_189 : memref<100352xf32, #tpu.memory_space<vmem_shared>>)
        %dma_wait3A_190 = tpu.memref_slice %arg20[%mul3A_182] : memref<8032xf32, #tpu.memory_space<vmem>> -> memref<16xf32, #tpu.memory_space<vmem>>
        %dma_wait3A_191 = arith.constant 0 : i32
        %dma_wait3A_192 = tpu.memref_slice %arg10[%dma_wait3A_191] : memref<100352xf32, #tpu.memory_space<vmem_shared>> -> memref<100352xf32, #tpu.memory_space<vmem_shared>>
        tpu.wait_indirect_dma semaphore(%arg22 : memref<!tpu.dma_semaphore, #tpu.memory_space<semaphore_mem>>) src(%dma_wait3A_190 : memref<16xf32, #tpu.memory_space<vmem>>) dst(%dma_wait3A_192 : memref<100352xf32, #tpu.memory_space<vmem_shared>>)
      }
    }
    %scan3A_53 = arith.constant 25 : i32
    %barrier3A_54 = arith.constant 0 : index
    tpu.barrier barrier_id(%barrier3A_54)
    %mul3A_55 = arith.constant 6272 : i32
    %mul3A_56 = arith.muli %arg1, %mul3A_55 : i32
    %mul3A_57 = arith.constant 3 : i32
    %mul3A_58 = arith.muli %arg0, %mul3A_57 : i32
    %add3A_59 = arith.constant 0 : i32
    %add3A_60 = arith.addi %mul3A_58, %add3A_59 : i32
    %mul3A_61 = arith.constant 6272 : i32
    %mul3A_62 = arith.muli %arg1, %mul3A_61 : i32
    %run_scoped3A = arith.constant 0 : i32
    "tpu.region"() ({
      %run_scoped3A_81 = tpu.sem_alloc : memref<!tpu.dma_semaphore, #tpu.memory_space<semaphore_mem>>
      %dma_start3A_82 = tpu.memref_slice %arg7[%add3A_60, %run_scoped3A, %mul3A_62] : memref<6x1x100352xf32, #tpu.memory_space<hbm>> -> memref<1x1x6272xf32, #tpu.memory_space<hbm>>
      %dma_start3A_83 = tpu.memref_squeeze %dma_start3A_82 : memref<1x1x6272xf32, #tpu.memory_space<hbm>> -> memref<6272xf32, #tpu.memory_space<hbm>>
      %dma_start3A_84 = tpu.memref_slice %arg8[%mul3A_56] : memref<100352xf32, #tpu.memory_space<vmem_shared>> -> memref<6272xf32, #tpu.memory_space<vmem_shared>>
      tpu.enqueue_dma source(%dma_start3A_84 : memref<6272xf32, #tpu.memory_space<vmem_shared>>) target(%dma_start3A_83 : memref<6272xf32, #tpu.memory_space<hbm>>) target_semaphore(%run_scoped3A_81 : memref<!tpu.dma_semaphore, #tpu.memory_space<semaphore_mem>>)
      %dma_wait3A = tpu.memref_slice %arg7[%add3A_60, %run_scoped3A, %mul3A_62] : memref<6x1x100352xf32, #tpu.memory_space<hbm>> -> memref<1x1x6272xf32, #tpu.memory_space<hbm>>
      %dma_wait3A_85 = tpu.memref_squeeze %dma_wait3A : memref<1x1x6272xf32, #tpu.memory_space<hbm>> -> memref<6272xf32, #tpu.memory_space<hbm>>
      %dma_wait3A_86 = tpu.memref_slice %arg8[%mul3A_56] : memref<100352xf32, #tpu.memory_space<vmem_shared>> -> memref<6272xf32, #tpu.memory_space<vmem_shared>>
      tpu.wait_dma2 semaphore(%run_scoped3A_81 : memref<!tpu.dma_semaphore, #tpu.memory_space<semaphore_mem>>) src(%dma_wait3A_86 : memref<6272xf32, #tpu.memory_space<vmem_shared>>) dst(%dma_wait3A_85 : memref<6272xf32, #tpu.memory_space<hbm>>)
      tpu.yield
    }) : () -> ()
    %mul3A_63 = arith.constant 6272 : i32
    %mul3A_64 = arith.muli %arg1, %mul3A_63 : i32
    %mul3A_65 = arith.constant 3 : i32
    %mul3A_66 = arith.muli %arg0, %mul3A_65 : i32
    %add3A_67 = arith.constant 1 : i32
    %add3A_68 = arith.addi %mul3A_66, %add3A_67 : i32
    %mul3A_69 = arith.constant 6272 : i32
    %mul3A_70 = arith.muli %arg1, %mul3A_69 : i32
    %run_scoped3A_71 = arith.constant 0 : i32
    "tpu.region"() ({
      %run_scoped3A_81 = tpu.sem_alloc : memref<!tpu.dma_semaphore, #tpu.memory_space<semaphore_mem>>
      %dma_start3A_82 = tpu.memref_slice %arg7[%add3A_68, %run_scoped3A_71, %mul3A_70] : memref<6x1x100352xf32, #tpu.memory_space<hbm>> -> memref<1x1x6272xf32, #tpu.memory_space<hbm>>
      %dma_start3A_83 = tpu.memref_squeeze %dma_start3A_82 : memref<1x1x6272xf32, #tpu.memory_space<hbm>> -> memref<6272xf32, #tpu.memory_space<hbm>>
      %dma_start3A_84 = tpu.memref_slice %arg9[%mul3A_64] : memref<100352xf32, #tpu.memory_space<vmem_shared>> -> memref<6272xf32, #tpu.memory_space<vmem_shared>>
      tpu.enqueue_dma source(%dma_start3A_84 : memref<6272xf32, #tpu.memory_space<vmem_shared>>) target(%dma_start3A_83 : memref<6272xf32, #tpu.memory_space<hbm>>) target_semaphore(%run_scoped3A_81 : memref<!tpu.dma_semaphore, #tpu.memory_space<semaphore_mem>>)
      %dma_wait3A = tpu.memref_slice %arg7[%add3A_68, %run_scoped3A_71, %mul3A_70] : memref<6x1x100352xf32, #tpu.memory_space<hbm>> -> memref<1x1x6272xf32, #tpu.memory_space<hbm>>
      %dma_wait3A_85 = tpu.memref_squeeze %dma_wait3A : memref<1x1x6272xf32, #tpu.memory_space<hbm>> -> memref<6272xf32, #tpu.memory_space<hbm>>
      %dma_wait3A_86 = tpu.memref_slice %arg9[%mul3A_64] : memref<100352xf32, #tpu.memory_space<vmem_shared>> -> memref<6272xf32, #tpu.memory_space<vmem_shared>>
      tpu.wait_dma2 semaphore(%run_scoped3A_81 : memref<!tpu.dma_semaphore, #tpu.memory_space<semaphore_mem>>) src(%dma_wait3A_86 : memref<6272xf32, #tpu.memory_space<vmem_shared>>) dst(%dma_wait3A_85 : memref<6272xf32, #tpu.memory_space<hbm>>)
      tpu.yield
    }) : () -> ()
    %mul3A_72 = arith.constant 6272 : i32
    %mul3A_73 = arith.muli %arg1, %mul3A_72 : i32
    %mul3A_74 = arith.constant 3 : i32
    %mul3A_75 = arith.muli %arg0, %mul3A_74 : i32
    %add3A_76 = arith.constant 2 : i32
    %add3A_77 = arith.addi %mul3A_75, %add3A_76 : i32
    %mul3A_78 = arith.constant 6272 : i32
    %mul3A_79 = arith.muli %arg1, %mul3A_78 : i32
    %run_scoped3A_80 = arith.constant 0 : i32
    "tpu.region"() ({
      %run_scoped3A_81 = tpu.sem_alloc : memref<!tpu.dma_semaphore, #tpu.memory_space<semaphore_mem>>
      %dma_start3A_82 = tpu.memref_slice %arg7[%add3A_77, %run_scoped3A_80, %mul3A_79] : memref<6x1x100352xf32, #tpu.memory_space<hbm>> -> memref<1x1x6272xf32, #tpu.memory_space<hbm>>
      %dma_start3A_83 = tpu.memref_squeeze %dma_start3A_82 : memref<1x1x6272xf32, #tpu.memory_space<hbm>> -> memref<6272xf32, #tpu.memory_space<hbm>>
      %dma_start3A_84 = tpu.memref_slice %arg10[%mul3A_73] : memref<100352xf32, #tpu.memory_space<vmem_shared>> -> memref<6272xf32, #tpu.memory_space<vmem_shared>>
      tpu.enqueue_dma source(%dma_start3A_84 : memref<6272xf32, #tpu.memory_space<vmem_shared>>) target(%dma_start3A_83 : memref<6272xf32, #tpu.memory_space<hbm>>) target_semaphore(%run_scoped3A_81 : memref<!tpu.dma_semaphore, #tpu.memory_space<semaphore_mem>>)
      %dma_wait3A = tpu.memref_slice %arg7[%add3A_77, %run_scoped3A_80, %mul3A_79] : memref<6x1x100352xf32, #tpu.memory_space<hbm>> -> memref<1x1x6272xf32, #tpu.memory_space<hbm>>
      %dma_wait3A_85 = tpu.memref_squeeze %dma_wait3A : memref<1x1x6272xf32, #tpu.memory_space<hbm>> -> memref<6272xf32, #tpu.memory_space<hbm>>
      %dma_wait3A_86 = tpu.memref_slice %arg10[%mul3A_73] : memref<100352xf32, #tpu.memory_space<vmem_shared>> -> memref<6272xf32, #tpu.memory_space<vmem_shared>>
      tpu.wait_dma2 semaphore(%run_scoped3A_81 : memref<!tpu.dma_semaphore, #tpu.memory_space<semaphore_mem>>) src(%dma_wait3A_86 : memref<6272xf32, #tpu.memory_space<vmem_shared>>) dst(%dma_wait3A_85 : memref<6272xf32, #tpu.memory_space<hbm>>)
      tpu.yield
    }) : () -> ()
    return
  }
}

module attributes {stable_mosaic.version = 14 : i64} {
  func.func @body(%arg0: i32, %arg1: memref<2x3x512xf32, #tpu.memory_space<vmem>>, %arg2: memref<3x512xf32, #tpu.memory_space<vmem>>) attributes {dimension_semantics = [#tpu.dimension_semantics<arbitrary>], iteration_bounds = array<i64: 196>, scalar_prefetch = 0 : i64, scratch_operands = 0 : i64, tpu.core_type = #tpu.core_type<tc>, window_params = [{transform_indices = @transform_0, window_bounds = array<i64: 2, 3, 512>}, {transform_indices = @transform_1, window_bounds = array<i64: 3, 512>}]} {
    %get3A = arith.constant 0 : index
    %get3A_0 = arith.constant 0 : index
    %get3A_1 = arith.constant 0 : index
    %get3A_2 = vector.load %arg1[%get3A, %get3A_0, %get3A_1] : memref<2x3x512xf32, #tpu.memory_space<vmem>>, vector<2x3x512xf32>
    %slice3A = vector.extract_strided_slice %get3A_2 {offsets = [0, 0, 0], sizes = [1, 3, 512], strides = [1, 1, 1]} : vector<2x3x512xf32> to vector<1x3x512xf32>
    %squeeze3A = vector.shape_cast %slice3A : vector<1x3x512xf32> to vector<3x512xf32>
    %slice3A_3 = vector.extract_strided_slice %get3A_2 {offsets = [1, 0, 0], sizes = [1, 3, 512], strides = [1, 1, 1]} : vector<2x3x512xf32> to vector<1x3x512xf32>
    %squeeze3A_4 = vector.shape_cast %slice3A_3 : vector<1x3x512xf32> to vector<3x512xf32>
    %add3A = arith.addf %squeeze3A, %squeeze3A_4 : vector<3x512xf32>
    %mul3A = arith.mulf %add3A, %add3A : vector<3x512xf32>
    %reduce_sum3A = arith.constant dense<0.000000e+00> : vector<512xf32>
    %reduce_sum3A_5 = vector.multi_reduction <add>, %mul3A, %reduce_sum3A [0] : vector<3x512xf32> to vector<512xf32>
    %broadcast_in_dim3A = vector.shape_cast %reduce_sum3A_5 : vector<512xf32> to vector<1x512xf32>
    %max3A = arith.constant 9.99999968E-21 : f32
    %max3A_6 = vector.broadcast %max3A : f32 to vector<1x512xf32>
    %max3A_7 = arith.maximumf %broadcast_in_dim3A, %max3A_6 : vector<1x512xf32>
    %sqrt3A = math.sqrt %max3A_7 : vector<1x512xf32>
    %div3A = vector.broadcast %sqrt3A : vector<1x512xf32> to vector<3x512xf32>
    %div3A_8 = arith.divf %add3A, %div3A : vector<3x512xf32>
    %swap3A = arith.constant 0 : index
    %swap3A_9 = arith.constant 0 : index
    %swap3A_10 = vector.load %arg2[%swap3A, %swap3A_9] : memref<3x512xf32, #tpu.memory_space<vmem>>, vector<3x512xf32>
    tpu.vector_store %arg2[%swap3A, %swap3A_9], %div3A_8 {strides = array<i32>} : memref<3x512xf32, #tpu.memory_space<vmem>>, vector<3x512xf32>,
    return
  }
  func.func @transform_0(%arg0: i32) -> (i32, i32, i32) {
    %c0_i32 = arith.constant 0 : i32
    %c0_i32_0 = arith.constant 0 : i32
    %c0_i32_1 = arith.constant 0 : i32
    return %c0_i32, %c0_i32_0, %arg0 : i32, i32, i32
  }
  func.func @transform_1(%arg0: i32) -> (i32, i32) {
    %c0_i32 = arith.constant 0 : i32
    %c0_i32_0 = arith.constant 0 : i32
    return %c0_i32, %arg0 : i32, i32
  }
}

</mosaic_0001>

<sc_bundles>
// kernel: kernel.4.cloned.1.call-start
scs
__scs_entry_jumppad:
0x0: {  	(pc) =	sbr.rel $0x88, $3  }
0x1: {  	(tag) =	ssettag $0x0;
	lr =	simm.s32 $0x1  }
0x2: {  	[smem:$0x3F9E] =	sst lr;
	_ =	strace $0xD0000000  }
0x3: {  	_ = 	snop  }
0x4: {  	_ = 	snop  }
0x5: {  	_ = 	snop  }
0x6: {  	_ = 	snop  }
0x7: {  	_ = 	snop  }
__scs_overlays_trampoline_lowered:
0x8: {  	[smem:$0x3FAD] =	sst s0  }
0x9: {  	[smem:$0x3FAE] =	sst s1  }
0xa: {  	[smem:$0x3FAF] =	sst s2  }
0xb: {  	[smem:$0x3FB0] =	sst s3  }
0xc: {  	[smem:$0x3FB1] =	sst s4  }
0xd: {  	[smem:$0x3FB2] =	sst s5  }
0xe: {  	[smem:$0x3FB3] =	sst s6  }
0xf: {  	[smem:$0x3FB4] =	sst s7  }
0x10: {  	[smem:$0x3FB5] =	sst s8  }
0x11: {  	[smem:$0x3FB6] =	sst s9;
	s0 =	simm.s32 @!p0 $0x0  }
0x12: {  	s1 =	sld [smem:$0x3F9C];
	s0 =	simm.s32 @p0 $0x1  }
0x13: {  	[smem:$0x3FB7] =	sst s0;
	s0 =	simm.s32 @!p1 $0x0  }
0x14: {  	s2 =	sld [smem:$0x3F9B];
	s0 =	simm.s32 @p1 $0x1  }
0x15: {  	[smem:$0x3FB8] =	sst s0;
	s0 =	simm.s32 @!p2 $0x0  }
0x16: {  	s3 =	sld [smem:$0x3FDB];
	s0 =	simm.s32 @p2 $0x1  }
0x17: {  	s4 =	simm.s32 $0x1BF5;
	[smem:$0x3FBA] =	sst s0  }
0x18: {  	s0 =	sld [smem:$0x3F9D];
	_ =	swait.ge [sflag:s4], $0x0  }
0x19: {  	s7 =	sld [smem:$0x3F9E]  }
0x1a: {  	s8 =	sadd.s32 $0xFFFFE003, lr  }
0x1b: {  	s9 =	sadd.s32 $0xFFFFFEF7, lr;
	s5 =	simm.s32 $0xFFFFFFFF;
	p2 =	slt.u32 s8, $0xFFFFF086  }
0x1c: {  	p1 =	slt.u32 s9, $0xF7A;
	s5 =	simm.s32 @!p2 $0x0  }
0x1d: {  	s5 =	simm.s32 @p1 $0x1;
	p0 =	seq.s32 s7, s2  }
0x1e: {  	s7 =	smul.u32 @!p0 $0xF7A, s2;
	p2 =	seq.s32 @!p0 s5, $0x0  }
0x1f: {  	s9 =	smul.u32 $0xF7A, s1;
	s8 =	simm.s32 @!p0 $0x1BF5;
	p2 =	por !p2, p0  }
0x20: {  	[sflag:s8] =	ssyncset.s32 @!p0 $0xFFFFF086;
	s6 =	sadd.s32 @!p0 s3, s7;
	s7 =	simm.s32 @!p0 $0x108  }
0x21: {  	s3 =	sadd.s32 s3, s9;
	s6 =	sadd.s32 @!p0 $0x88, s6;
	s7 =	simm.s32 @p2 $0x1082  }
0x22: {  	[simem:s7], [sflag:s8] =	dma.local @!p0 [hbm:s6], $0xF7A  }
0x23: {  	s9 =	sor.u32 $0xD0000000, s2;
	s6 =	simm.s32 $0x108;
	_ =	swait.ge @!p0 [sflag:s8], $0x0  }
0x24: {  	s3 =	sadd.s32 $0x88, s3;
	s6 =	simm.s32 @!p1 $0x1082;
	[sflag:s4] =	ssyncset.s32 $0xFFFFF086  }
0x25: {  	[simem:s6], [sflag:s4] =	dma.local [hbm:s3], $0xF7A  }
0x26: {  	[smem:$0x3F9E] =	sst s1;
	(tag) =	ssettag s2;
	_ =	strace s9  }
0x27: {  	s1 =	sld [smem:$0x3FAE]  }
0x28: {  	s2 =	sld [smem:$0x3FAF]  }
0x29: {  	s4 =	sld [smem:$0x3FB1]  }
0x2a: {  	p0 =	seq.s32 s5, $0x0;
	s5 =	sld [smem:$0x3FB2]  }
0x2b: {  	s6 =	sld [smem:$0x3FB3]  }
0x2c: {  	s7 =	sld [smem:$0x3FB4]  }
0x2d: {  	s3 =	simm.s32 $0x108;
	s8 =	sld [smem:$0x3FB5]  }
0x2e: {  	s3 =	simm.s32 @!p0 $0x1082;
	s9 =	sld [smem:$0x3FB6]  }
0x2f: {  	lr =	sadd.s32 s0, s3;
	s0 =	sld [smem:$0x3FAD]  }
0x30: {  	s3 =	sld [smem:$0x3FB0]  }
0x31: {  	[smem:$0x3FB9] =	sst s10  }
0x32: {  	s10 =	sld [smem:$0x3FB7];
	_ =	sdelay $0x3  }
0x33: {  	p0 =	seq.s32 s10, $0x1;
	s10 =	sld [smem:$0x3FB9];
	_ =	sdelay $0x3  }
0x34: {  	[smem:$0x3FB9] =	sst s10  }
0x35: {  	s10 =	sld [smem:$0x3FB8];
	_ =	sdelay $0x3  }
0x36: {  	p1 =	seq.s32 s10, $0x1;
	s10 =	sld [smem:$0x3FB9];
	_ =	sdelay $0x3  }
0x37: {  	[smem:$0x3FB9] =	sst s10  }
0x38: {  	s10 =	sld [smem:$0x3FBA]  }
0x39: {  	_ = 	snop;
	(pc) =	sbr.ind lr, $3  }
0x3a: {  	_ = 	snop  }
0x3b: {  	_ = 	snop  }
0x3c: {  	p2 =	seq.s32 s10, $0x1;
	s10 =	sld [smem:$0x3FB9]  }
0x3d: {  	_ =	shalt  }
0x3e: {  	_ =	shalt  }
0x3f: {  	_ =	shalt  }
0x40: {  	_ =	shalt  }
0x41: {  	_ =	shalt  }
0x42: {  	_ =	shalt  }
0x43: {  	_ =	shalt  }
0x44: {  	_ =	shalt  }
0x45: {  	_ =	shalt  }
0x46: {  	_ =	shalt  }
0x47: {  	_ =	shalt  }
0x48: {  	_ =	shalt  }
0x49: {  	_ =	shalt  }
0x4a: {  	_ =	shalt  }
0x4b: {  	_ =	shalt  }
0x4c: {  	_ =	shalt  }
0x4d: {  	_ =	shalt  }
0x4e: {  	_ =	shalt  }
0x4f: {  	_ =	shalt  }
0x50: {  	_ =	shalt  }
0x51: {  	_ =	shalt  }
0x52: {  	_ =	shalt  }
0x53: {  	_ =	shalt  }
0x54: {  	_ =	shalt  }
0x55: {  	_ =	shalt  }
0x56: {  	_ =	shalt  }
0x57: {  	_ =	shalt  }
0x58: {  	_ =	shalt  }
0x59: {  	_ =	shalt  }
0x5a: {  	_ =	shalt  }
0x5b: {  	_ =	shalt  }
0x5c: {  	_ =	shalt  }
0x5d: {  	_ =	shalt  }
0x5e: {  	_ =	shalt  }
0x5f: {  	_ =	shalt  }
0x60: {  	_ =	shalt  }
0x61: {  	_ =	shalt  }
0x62: {  	_ =	shalt  }
0x63: {  	_ =	shalt  }
0x64: {  	_ =	shalt  }
0x65: {  	_ =	shalt  }
0x66: {  	_ =	shalt  }
0x67: {  	_ =	shalt  }
0x68: {  	_ =	shalt  }
0x69: {  	_ =	shalt  }
0x6a: {  	_ =	shalt  }
0x6b: {  	_ =	shalt  }
0x6c: {  	_ =	shalt  }
0x6d: {  	_ =	shalt  }
0x6e: {  	_ =	shalt  }
0x6f: {  	_ =	shalt  }
0x70: {  	_ =	shalt  }
0x71: {  	_ =	shalt  }
0x72: {  	_ =	shalt  }
0x73: {  	_ =	shalt  }
0x74: {  	_ =	shalt  }
0x75: {  	_ =	shalt  }
0x76: {  	_ =	shalt  }
0x77: {  	_ =	shalt  }
0x78: {  	_ =	shalt  }
0x79: {  	_ =	shalt  }
0x7a: {  	_ =	shalt  }
0x7b: {  	_ =	shalt  }
0x7c: {  	_ =	shalt  }
0x7d: {  	_ =	shalt  }
0x7e: {  	_ =	shalt  }
0x7f: {  	_ =	shalt  }
0x80: {  	_ =	shalt  }
0x81: {  	_ =	shalt  }
0x82: {  	_ =	shalt  }
0x83: {  	_ =	shalt  }
0x84: {  	_ =	shalt  }
0x85: {  	_ =	shalt  }
0x86: {  	_ =	shalt  }
0x87: {  	_ =	shalt  }
.Lfunc_end0:
.L_simem_size_0:
called_computation_lowered:
.L_overlay_start_0:
0x88: {  	s2 =	sld [smem:$0x3FD9]  }
0x89: {  	s3 =	sld [smem:$0x3FFE];
	_ =	sdelay $0x1  }
0x8a: {  	s1 =	srdreg.scid  }
0x8b: {  	s0 =	sand.u32 $0x1, s1  }
0x8c: {  	s17 =	sshll.u32 s0, $0xA;
	s2 =	sadd.s32 s3, s2  }
0x8d: {  	s2 =	sadd.s32 s2, s17  }
0x8e: {  	[smem:$0x3FC5] =	sst s2  }
0x8f: {  	_ = 	snop  }
0x90: {  	s2 =	sld [smem:$0x3FC8]  }
0x91: {  	s18 =	sld [smem:$0x3FC7];
	(tm) =	ssettm $0x1  }
0x92: {  	s4 =	sld [smem:$0x3FFB];
	_ =	sdelay $0x3  }
0x93: {  	_ =	strace s4  }
0x94: {  	s4 =	sld [smem:$0x3FFC];
	_ =	sdelay $0x3  }
0x95: {  	_ =	strace s4  }
0x96: {  	s4 =	sld [smem:$0x3FFD];
	_ =	sdelay $0x3  }
0x97: {  	_ =	strace s4  }
0x98: {  	_ =	strace $0x8FFFFFFF  }
0x99: {  	s19 =	sld [smem:$0x3FDB];
	_ =	sdelay $0x1  }
0x9a: {  	s5 =	simm.s32 $_scs_section_size  }
0x9b: {  	s6 =	simm.s32 $_size__tile_overlayer_lowered;
	s7 =	simm.s32 $_tile_overlayer_lowered  }
0x9c: {  	s22 =	simm.s32 $0x1BFF;
	s21 =	sshll.u32 s7, $0x1;
	s4 =	sadd.s32 s5, s19  }
0x9d: {  	s8 =	simm.s32 $0x0;
	s20 =	sshll.u32 s6, $0x1;
	s6 =	sadd.s32 s21, s4  }
0x9e: {  	[timem:s8], [sflag:s22] =	dma.local [hbm:s6], s20  }
0x9f: {  	_ =	swait.ge [sflag:s22], s20  }
0xa0: {  	s5 =	ssub.s32 $0x0, s20;
	[sflag:s22] =	ssyncset.done $0x0  }
0xa1: {  	[sflag:s22] =	ssyncadd.s32 s5;
	_ =	sdelay $0x1  }
0xa2: {  	s23 =	simm.s32 $0x1B8B  }
0xa3: {  	_ =	swait.ge [sflag:s23], $0x1  }
0xa4: {  	[sflag:s23] =	ssyncset.done $0x0  }
0xa5: {  	s25 =	simm.s32 $0x1B8E;
	s24 =	sld [smem:$0x3FFE];
	[sflag:s23] =	ssyncadd.s32 $0xFFFFFFFF  }
0xa6: {  	s26 =	simm.s32 $execute0_lowered;
	[smem:$0x3FD2] =	sst s25  }
0xa7: {  	s6 =	sshll.u32 s26, $0x1;
	_ =	strace $0x80000046;
	[dreg:$0x1] =	wrdreg $0xFFFFFFFF  }
0xa8: {  	s28 =	simm.s32 $_size_execute0_lowered;
	s4 =	sadd.s32 s4, s6;
	[dreg:$0x0] =	wrdreg $0x0  }
0xa9: {  	s6 =	sshll.u32 s28, $0x1;
	[dreg:$0x2] =	wrdreg s4  }
0xaa: {  	[dreg:$0x3] =	wrdreg s6  }
0xab: {  	[dreg:$0x4] =	wrdreg $0xC0  }
0xac: {  	_ =	task [dreg:s8], $0x5FFFF  }
0xad: {  	[dreg:$0x1] =	wrdreg $0xFFFFFFFF  }
0xae: {  	[dreg:$0x0] =	wrdreg $0x60  }
0xaf: {  	[dreg:$0x2] =	wrdreg s24  }
0xb0: {  	[dreg:$0x3] =	wrdreg s2  }
0xb1: {  	[dreg:$0x4] =	wrdreg s18  }
0xb2: {  	[dreg:$0x5] =	wrdreg $0x0  }
0xb3: {  	[dreg:$0x6] =	wrdreg $0x18800  }
0xb4: {  	[dreg:$0x7] =	wrdreg $0x31000  }
0xb5: {  	[dreg:$0x8] =	wrdreg $0x9  }
0xb6: {  	_ =	task.clear_ibuf [dreg:s8], $0x9FFFF;
	_ =	strace $0x90000046  }
0xb7: {  	s29 =	simm.s32 $0x9;
	_ =	strace $0x80000048  }
0xb8: {  	_ =	swait.ge [sflag:s29], $0x1  }
0xb9: {  	[sflag:s29] =	ssyncadd.s32 $0xFFFFFFFF  }
0xba: {  	_ =	strace $0x90000048  }
0xbb: {  	_ =	sfence  }
0xbc: {  	s30 =	sld [smem:$0x0];
	_ =	sdelay $0x2  }
0xbd: {  	s31 =	sshll.u32 s1, $0xD;
	s1 =	sshrl.u32 s1, $0x2  }
0xbe: {  	s3 =	sand.u32 $0x4000, s31;
	s1 =	sadd.s32 s1, s30  }
0xbf: {  	s0 =	sor.u32 s3, s0;
	s1 =	sshll.u32 s1, $0x11  }
0xc0: {  	s0 =	sor.u32 s1, s0  }
0xc1: {  	s0 =	sadd.s32 $0x8F2B, s0  }
0xc2: {  	[sflag:s0] =	ssyncadd.remote.s32 $0x1  }
0xc3: {  	_ =	sfence.sel $0xFFFF  }
0xc4: {  	[dreg:$0x0] =	wrdreg $0xFFFFFFFF;
	(pc) =	sbr.abs _section_cstart, $3  }
0xc5: {  	[dreg:$0x1] =	wrdreg $0xFFFFFFFF  }
0xc6: {  	_ =	task.clear_ibuf [dreg:s8], $0x2FFFF;
	_ =	strace $0x9FFFFFFF  }
0xc7: {  	(tm) =	ssettm $0x7FFFFFFF  }
tec
execute0_lowered:
.L_overlay_start_1:
0x0: {  	(tag) =	ssettag $0x1  }
0x1: {  	s0 =	rddreg [dreg:$0x0]  }
0x2: {  	s8 =	rddreg [dreg:$0x1]  }
0x3: {  	s9 =	rddreg [dreg:$0x2]  }
0x4: {  	s3 =	rddreg [dreg:$0x3]  }
0x5: {  	s5 =	rddreg [dreg:$0x4]  }
0x6: {  	s6 =	rddreg [dreg:$0x5]  }
0x7: {  	s1 =	srdreg.scid;
	s7 =	stileid.u32  }
0x8: {  	s10 =	simm.s32 $0x0;
	s1 =	sand.u32 $0x1, s1;
	s2 =	smul.u32 $0x1880, s7  }
0x9: {  	[smem:$0x7FF] =	sst s10;
	s11 =	sadd.s32 $0xC3A00, s0;
	s7 =	sshll.u32 s7, $0x1  }
0xa: {  	s12 =	sadd.s32 $0x61E00, s0;
	_ =	strace $0x80000047;
	[dreg:$0x8] =	wrdreg s11  }
0xb: {  	s13 =	sadd.s32 $0x200, s0;
	s4 =	smul.u32 $0x49800, s1;
	[dreg:$0x9] =	wrdreg s12  }
0xc: {  	s7 =	sor.u32 s1, s7;
	s1 =	ssub.s32 $0x2, s1;
	[dreg:$0xb] =	wrdreg s13  }
0xd: {  	s7 =	smul.u32 $0x186A0, s7;
	s19 =	sshrl.u32 s1, $0x1;
	s20 =	sadd.s32 s2, s3  }
0xe: {  	s1 =	ssub.s32 s1, s19;
	[dreg:$0xc] =	wrdreg s20  }
0xf: {  	[dreg:$0xa] =	wrdreg s7;
	s26 =	smax.u32 s1, $0x1  }
0x10: {  	s21 =	sshrl.u32 s7, $0x3;
	s7 =	sadd.s32 s2, s5;
	[dreg:$0x17] =	wrdreg s26  }
0x11: {  	s4 =	sadd.s32 s2, s4;
	s2 =	sadd.s32 s2, s6;
	[dreg:$0xd] =	wrdreg s7  }
0x12: {  	s31 =	simm.s32 $0xE000;
	s11 =	sadd.s32 s11, s21;
	[dreg:$0xe] =	wrdreg s2  }
0x13: {  	s28 =	simm.s32 $0x11F00;
	s22 =	sadd.s32 s12, s21;
	[dreg:$0xf] =	wrdreg s11  }
0x14: {  	s4 =	sshrl.u32 s4, $0x3;
	s23 =	sadd.s32 s13, s21;
	[dreg:$0x10] =	wrdreg s22  }
0x15: {  	s0 =	sadd.s32 s4, s0;
	s8 =	sadd.s32 s8, s21;
	[dreg:$0x11] =	wrdreg s23  }
.Ltmp0:
0x16: {  	s4 =	sadd.s32 s9, s21;
	[dreg:$0x12] =	wrdreg s8;
	(pc) =	sbr.rel .LBB2_1-.Ltmp0, $4  }
0x17: {  	s29 =	simm.s32 $0x13E80;
	[dreg:$0x13] =	wrdreg s4;
	s24 =	sadd.s32 $0x125600, s0  }
0x18: {  	s30 =	simm.s32 $0x15E00;
	s25 =	sadd.s32 $0x128700, s0;
	[dreg:$0x14] =	wrdreg s24  }
0x19: {  	v0 =	vimm.f32 $0.0e+00;
	s9 =	simm.s32 $0x3;
	s0 =	sadd.s32 $0x12B800, s0;
	[dreg:$0x15] =	wrdreg s25  }
0x1a: {  	v51 =	vlaneseq.u32;
	v3 =	vimm.s32 $0x187FF;
	v9 =	vimm.s32 $0x0;
	s26 =	simm.s32 $0xFF80;
	s4 =	simm.s32 $0x2;
	[dreg:$0x16] =	wrdreg s0  }
.LBB2_18:
0x1b: {  	s0 =	stileid.u32;
	[bflag:$0x0] =	sbarrier.arrive $0xFFFF  }
0x1c: {  	s9 =	simm.s32 $0x3;
	s0 =	sshll.u32 s0, $0x6;
	s1 =	rddreg [dreg:$0xc]  }
0x1d: {  	s2 =	rddreg [dreg:$0x14];
	s0 =	sor.u32 $0x1C03, s0;
	s1 =	sshrl.u32 s1, $0x3  }
0x1e: {  	[hbm:s2], [sflag:s0] =	dma.local [spmem:s1], $0x310  }
0x1f: {  	_ =	swait.ge [sflag:s9], $0x310  }
0x20: {  	[sflag:s9] =	ssyncset.done $0x0;
	s7 =	rddreg [dreg:$0xd]  }
0x21: {  	s23 =	rddreg [dreg:$0x15];
	[sflag:s9] =	ssyncadd.s32 $0xFFFFFCF0;
	s22 =	sshrl.u32 s7, $0x3  }
0x22: {  	[hbm:s23], [sflag:s0] =	dma.local [spmem:s22], $0x310  }
0x23: {  	_ =	swait.ge [sflag:s9], $0x310  }
0x24: {  	[sflag:s9] =	ssyncset.done $0x0;
	s2 =	rddreg [dreg:$0xe]  }
0x25: {  	s8 =	rddreg [dreg:$0x16];
	[sflag:s9] =	ssyncadd.s32 $0xFFFFFCF0;
	s24 =	sshrl.u32 s2, $0x3  }
0x26: {  	[hbm:s8], [sflag:s0] =	dma.local [spmem:s24], $0x310  }
0x27: {  	_ =	swait.ge [sflag:s9], $0x310  }
0x28: {  	s10 =	rddreg [dreg:$0x7]  }
0x29: {  	s25 =	rddreg [dreg:$0x17];
	s10 =	sadd.s32 $0x1, s10  }
0x2a: {  	p0 =	sne.s32 s10, s25  }
.Ltmp1:
0x2b: {  	_ = 	snop;
	(pc) =	sbr.rel @!p0 .LBB2_19-.Ltmp1, $3  }
0x2c: {  	_ =	sdelay $0x1  }
0x2d: {  	[sflag:s9] =	ssyncset.done $0x0  }
0x2e: {  	v0 =	vimm.f32 $0.0e+00;
	[sflag:s9] =	ssyncadd.s32 $0xFFFFFCF0  }
.LBB2_1:
0x2f: {  	[dreg:$0x7] =	wrdreg s10;
	s0 =	simm.s32 $0x40;
	s1 =	simm.s32 $0x0  }
.LBB2_2:
0x30: {  	p0 =	sne.s32 s0, $0x61C0;
	[tilespmem:s1+$0x4980] =	vst v0;
	s1 =	smov.u32 s0;
	s0 =	sadd.s32 $0x40, s0  }
.Ltmp2:
0x31: {  	(pc) =	sbr.rel @p0 .LBB2_2-.Ltmp2, $2  }
0x32: {  	_ =	sdelay $0x2  }
0x33: {  	s1 =	sshra.s32 s1, $0x2  }
0x34: {  	[tilespmem:s1+$0x4980] =	vst v0;
	s0 =	rddreg [dreg:$0xc];
	s15 =	simm.s32 $0x4980  }
0x35: {  	[spmem:s0] =	stream.linear.scatter [tilespmem:s15], [sflag:$0x3], $0x1880, $0x38;
	[tilespmem:$0x17D80] =	vst v63  }
0x36: {  	_ =	swait.ge [sflag:s9], $0x1880  }
0x37: {  	[sflag:s9] =	ssyncset.done $0x0  }
0x38: {  	[sflag:s9] =	ssyncadd.s32 $0xFFFFE780  }
0x39: {  	[spmem:s7] =	stream.linear.scatter [tilespmem:s15], [sflag:$0x3], $0x1880, $0x38;
	[tilespmem:$0x17D80] =	vst v63  }
0x3a: {  	_ =	swait.ge [sflag:s9], $0x1880  }
0x3b: {  	[sflag:s9] =	ssyncset.done $0x0  }
0x3c: {  	[sflag:s9] =	ssyncadd.s32 $0xFFFFE780  }
0x3d: {  	[spmem:s2] =	stream.linear.scatter [tilespmem:s15], [sflag:$0x3], $0x1880, $0x38;
	[tilespmem:$0x17D80] =	vst v63  }
0x3e: {  	_ =	swait.ge [sflag:s9], $0x1880  }
0x3f: {  	[sflag:s9] =	ssyncset.done $0x0  }
0x40: {  	[sflag:s9] =	ssyncadd.s32 $0xFFFFE780  }
0x41: {  	[bflag:$0x0] =	sbarrier.arrive $0xFFFF  }
0x42: {  	s16 =	simm.s32 $0x0;
	s18 =	simm.s32 $0x6200;
	s17 =	rddreg [dreg:$0xf]  }
0x43: {  	[tilespmem:s18], [sflag:$0x1] =	stream.linear.gather [hbm4b:s17+s16], $0xFA0, $0x38;
	[tilespmem:$0x17D80] =	vst v63  }
0x44: {  	s20 =	simm.s32 $0x8180;
	s19 =	rddreg [dreg:$0x10]  }
0x45: {  	[tilespmem:s20], [sflag:$0x1] =	stream.linear.gather [hbm4b:s19+s16], $0xFA0, $0x38;
	[tilespmem:$0x17D80] =	vst v63  }
0x46: {  	s22 =	simm.s32 $0xA100;
	s21 =	rddreg [dreg:$0x11]  }
0x47: {  	[tilespmem:s22], [sflag:$0x1] =	stream.linear.gather [hbm4b:s21+s16], $0xFA0, $0x38;
	[tilespmem:$0x17D80] =	vst v63  }
.Ltmp3:
0x48: {  	_ = 	snop;
	(pc) =	sbr.rel .LBB2_5-.Ltmp3, $4  }
0x49: {  	s24 =	simm.s32 $0xC080;
	s23 =	rddreg [dreg:$0x12]  }
0x4a: {  	[tilespmem:s24], [sflag:$0x1] =	stream.linear.gather [hbm4b:s23+s16], $0xFA0, $0x38;
	[tilespmem:$0x17D80] =	vst v63  }
0x4b: {  	p0 =	por $0x0, $0x0;
	s1 =	simm.s32 $0x0;
	s25 =	rddreg [dreg:$0x13]  }
0x4c: {  	[tilespmem:s31], [sflag:$0x1] =	stream.linear.gather [hbm4b:s25+s16], $0xFA0, $0x38;
	[tilespmem:$0x17D80] =	vst v63  }
.LBB2_17:
0x4d: {  	[sflag:s4] =	ssyncadd.s32 $0xFFFFFFF0  }
.LBB2_4:
0x4e: {  	s1 =	rddreg [dreg:$0x18]  }
0x4f: {  	p1 =	seq.s32 s1, $0x19  }
.Ltmp4:
0x50: {  	_ = 	snop;
	(pc) =	sbr.rel @p1 .LBB2_18-.Ltmp4, $2  }
0x51: {  	_ =	sdelay $0x2  }
0x52: {  	p0 =	por !p0, !p0  }
.LBB2_5:
0x53: {  	s11 =	simm.s32 $0x1  }
0x54: {  	_ =	swait.ge [sflag:s11], $0xFA0  }
0x55: {  	[sflag:s11] =	ssyncset.done $0x0  }
0x56: {  	[sflag:s11] =	ssyncadd.s32 $0xFFFFF060  }
0x57: {  	_ =	swait.ge [sflag:s11], $0xFA0  }
0x58: {  	[sflag:s11] =	ssyncset.done $0x0  }
0x59: {  	[sflag:s11] =	ssyncadd.s32 $0xFFFFF060  }
0x5a: {  	s0 =	simm.s32 $0x1;
	_ =	swait.ge [sflag:s11], $0xFA0  }
0x5b: {  	s2 =	sadd.s32 $0x1, s1;
	p1 =	seq.s32 s1, $0x18;
	[sflag:s11] =	ssyncset.done $0x0  }
0x5c: {  	s1 =	sand.u32 $0x1, s1;
	s0 =	simm.s32 @!p0 $0x0;
	[sflag:s11] =	ssyncadd.s32 $0xFFFFF060  }
0x5d: {  	s8 =	sxor.u32 @!p1 $0x1, s1;
	s1 =	smul.u32 $0xFB0, s1;
	_ =	swait.ge [sflag:s11], $0xFA0  }
0x5e: {  	s7 =	smul.u32 $0x3EC0, s0;
	[sflag:s11] =	ssyncset.done $0x0  }
0x5f: {  	s9 =	smul.u32 @!p1 $0xFA0, s8;
	[dreg:$0x18] =	wrdreg s2;
	[sflag:s11] =	ssyncadd.s32 $0xFFFFF060  }
0x60: {  	s2 =	smul.u32 @!p1 $0xFA0, s2;
	_ =	swait.ge [sflag:s11], $0xFA0  }
0x61: {  	s12 =	smul.u32 $0xFB0, s0;
	s21 =	sshrl.u32 s7, $0x2;
	s10 =	rddreg [dreg:$0xa]  }
0x62: {  	s7 =	sadd.s32 @!p1 $0x6200, s9;
	s13 =	rddreg [dreg:$0x9];
	s2 =	sadd.s32 @!p1 s10, s2  }
0x63: {  	[sflag:s11] =	ssyncset.done $0x0;
	s10 =	rddreg [dreg:$0x8];
	s2 =	sshrl.u32 @!p1 s2, $0x3  }
0x64: {  	[sflag:s11] =	ssyncadd.s32 $0xFFFFF060;
	s11 =	simm.s32 @!p1 $0x0;
	s10 =	sadd.s32 @!p1 s10, s2  }
0x65: {  	[tilespmem:s7], [sflag:$0x1] =	stream.linear.gather @!p1 [hbm4b:s10+s11], $0xFA0, $0x38;
	[tilespmem:$0x17D80] =	vst v63  }
0x66: {  	s8 =	smul.u32 @!p1 $0x3EC0, s8;
	s13 =	sadd.s32 @!p1 s13, s2;
	s7 =	sadd.s32 @!p1 $0x8180, s9  }
0x67: {  	[tilespmem:s7], [sflag:$0x1] =	stream.linear.gather @!p1 [hbm4b:s13+s11], $0xFA0, $0x38;
	[tilespmem:$0x17D80] =	vst v63  }
0x68: {  	s1 =	sadd.s32 $0xFA0, s1;
	s23 =	sadd.s32 $0x21, s12;
	s13 =	rddreg [dreg:$0xb]  }
0x69: {  	v0 =	vor.u32 s1, v51;
	s1 =	sshrl.u32 @!p1 s8, $0x2;
	s7 =	sadd.s32 @!p1 $0xA100, s9;
	s13 =	sadd.s32 @!p1 s13, s2  }
0x6a: {  	[tilespmem:s7], [sflag:$0x1] =	stream.linear.gather @!p1 [hbm4b:s13+s11], $0xFA0, $0x38;
	[tilespmem:$0x17D80] =	vst v63  }
0x6b: {  	s24 =	sadd.s32 $0xE030, s21;
	s25 =	sadd.s32 $0xFFFFFFE0, s23;
	s13 =	rddreg [dreg:$0x1]  }
0x6c: {  	v1 =	vadd.s32 s25, v51;
	s9 =	sadd.s32 @!p1 $0xC080, s9;
	s7 =	rddreg [dreg:$0x2];
	s13 =	sadd.s32 @!p1 s13, s2  }
0x6d: {  	v54 =	vmov s24;
	[tilespmem:s9], [sflag:$0x1] =	stream.linear.gather @!p1 [hbm4b:s13+s11], $0xFA0, $0x38;
	[tilespmem:$0x17D80] =	vst v63  }
0x6e: {  	s1 =	sor.u32 @!p1 $0xE000, s1;
	s2 =	sadd.s32 @!p1 s7, s2  }
0x6f: {  	v2 =	vadd.s32 s23, v51;
	[tilespmem:s1], [sflag:$0x1] =	stream.linear.gather @!p1 [hbm4b:s2+s11], $0xFA0, $0x38;
	[tilespmem:$0x17D80] =	vst v63  }
0x70: {  	s13 =	sadd.s32 $0xFFFFFFF0, s23;
	[tilespmem:v0+s31+$0x0] =	vst.idx.msk $0xffff, v3  }
0x71: {  	s7 =	simm.s32 $0x0;
	v0 =	vadd.s32 s13, v51;
	v1 =	vld.idx.msk [tilespmem:v1+s31+$0x0], $0xffff  }
0x72: {  	v4 =	vld.idx.msk [tilespmem:v54+s7+$0xFFFFFFD0 ss:$0x1], $0xffff  }
0x73: {  	s14 =	sadd.s32 $0x10, s23  }
0x74: {  	v3 =	vadd.s32 s14, v51;
	v5 =	vld.idx.msk [tilespmem:v2+s31+$0x0], $0xffff  }
0x75: {  	v6 =	vld.idx.msk [tilespmem:v54+s7+$0xFFFFFFE0 ss:$0x1], $0xffff  }
0x76: {  	v8 =	vld.idx.msk [tilespmem:v0+s31+$0x0], $0xffff  }
0x77: {  	v10 =	vld.idx.msk [tilespmem:v54+s7+$0xFFFFFFF0 ss:$0x1], $0xffff;
	vm1 =	vne.s32 v4, v1  }
0x78: {  	v12 =	vld.idx.msk [tilespmem:v54+s7+$0x0 ss:$0x1], $0xffff;
	v0 =	vsel vm1, $0x1, v9  }
0x79: {  	v13 =	vld.idx.msk [tilespmem:v3+s31+$0x0], $0xffff;
	(xrf0) =	vadd.scan.msk.s32 $0xffff, v0;
	_ =	sdelay $0x1  }
0x7a: {  	vm0 =	vne.s32 v6, v8  }
0x7b: {  	v0 =	vsel vm0, $0x1, v9  }
0x7c: {  	vm4 =	vne.s32 v10, v5;
	(xrf0) =	vadd.scan.msk.s32 $0xffff, v0  }
0x7d: {  	v2 =	vsel vm4, $0x1, v9;
	vm3 =	vne.s32 v12, v13  }
0x7e: {  	v3 =	vsel vm3, $0x1, v9;
	v0, _, _ =	vpop (xrf0);
	(xrf0) =	vadd.scan.msk.s32 $0xffff, v2  }
0x7f: {  	(v2sf) =	vpush v0, $0xF;
	(xrf0) =	vadd.scan.msk.s32 $0xffff, v3;
	_ =	sdelay $0x2  }
0x80: {  	s0 =	smul.u32 $0x3E80, s0;
	s1 =	sadd.s32 $0x40, s23;
	v7, _, _ =	vpop (xrf0)  }
0x81: {  	v56 =	vimm.s32 $0x0;
	s15 =	sadd.s32 $0xFFFFFFE0, s1;
	vm1 =	vmmov vm1;
	(v2sf) =	vpush v7, $0xF  }
0x82: {  	s16 =	simm.s32 $0x0;
	s14 =	sshrl.u32 s0, $0x2;
	v2 =	vsel vm1, $0xFFFFFFFF, v56;
	v3 =	vadd.s32 s15, v51;
	v9, _, _ =	vpop (xrf0)  }
0x83: {  	s0 =	sadd.s32 $0xC0A0, s14;
	v2 =	vadd.s32 s16, v2;
	v14 =	vbroadcast v0, $0xF;
	(v2sf) =	vpush v9, $0xF;
	v11, _, _ =	vpop (xrf0)  }
0x84: {  	v59 =	vmov s0;
	v0 =	vadd.s32 v0, v2;
	(v2sf) =	vpush v11, $0xF  }
0x85: {  	s17 =	sadd.s32 $0x6220, s14;
	v2 =	vadd.s32 v14, v0  }
0x86: {  	s19 =	simm.s32 $0x40;
	v26 =	vmov s17  }
0x87: {  	v18 =	vld.idx.msk [tilespmem:v54+s19+$0xFFFFFFD0 ss:$0x1], $0xffff  }
0x88: {  	v17 =	vld.idx.msk [tilespmem:v3+s31+$0x0], $0xffff  }
0x89: {  	v3 =	vld.idx.msk [tilespmem:v59+s7+$0xFFFFFFE0 ss:$0x1], $0xffff;
	[tilespmem:v0+s26+$0x0] =	vst.idx.msk vm1, v4  }
0x8a: {  	[tilespmem:v2+s26+$0x0] =	vst.idx.msk vm1, v1  }
0x8b: {  	v1 =	vadd.s32 s1, v51;
	v4 =	vld.idx.msk [tilespmem:v26+s7+$0xFFFFFFE0 ss:$0x1], $0xffff  }
0x8c: {  	s18 =	spop (v2sf)  }
0x8d: {  	vm5 =	vne.s32 v18, v17;
	s0 =	sshll.u32 s18, $0x1  }
0x8e: {  	v14 =	vsel vm0, $0xFFFFFFFF, v56;
	v15 =	vsel vm5, $0x1, v56;
	s0 =	sadd.s32 $0x0, s0  }
0x8f: {  	s20 =	sadd.s32 $0xFFFFFFF0, s1;
	v16 =	vbroadcast v7, $0xF;
	(xrf0) =	vadd.scan.msk.s32 $0xffff, v15;
	v14 =	vadd.s32 s0, v14  }
0x90: {  	v15 =	vadd.s32 s20, v51;
	v23 =	vld.idx.msk [tilespmem:v1+s31+$0x0], $0xffff;
	v1 =	vmul.f32 v4, v3;
	v43 =	vadd.s32 v7, v14;
	s22 =	spop (v2sf)  }
0x91: {  	v44 =	vadd.s32 v16, v43;
	s2 =	sshll.u32 s22, $0x1  }
0x92: {  	s23 =	sadd.s32 $0x10, s1;
	(xrf2) =	vadd.scan.msk.f32 $0xffff, v1;
	v1 =	vsel vm4, $0xFFFFFFFF, v56;
	s24 =	spop (v2sf);
	s0 =	sadd.s32 s0, s2  }
0x93: {  	v28 =	vld.idx.msk [tilespmem:v59+s7+$0xFFFFFFF0 ss:$0x1], $0xffff;
	vm14 =	vmmov vm5;
	v4 =	vadd.s32 s23, v51;
	s9 =	sshll.u32 s24, $0x1;
	s25 =	spop (v2sf);
	v1 =	vadd.s32 s0, v1  }
0x94: {  	vm4 =	vmmov vm4;
	v14 =	vld.idx.msk [tilespmem:v54+s19+$0xFFFFFFE0 ss:$0x1], $0xffff;
	s10 =	sshll.u32 s25, $0x1;
	s11 =	sadd.s32 s0, s9;
	v45 =	vadd.s32 v9, v1;
	v9 =	vbroadcast v9, $0xF  }
0x95: {  	v19, _, _ =	vpop (xrf0);
	v16 =	vld.idx.msk [tilespmem:v15+s31+$0x0], $0xffff;
	s13 =	sadd.s32 s11, s10;
	[tilespmem:v43+s26+$0x0] =	vst.idx.msk vm0, v6;
	v6 =	vsel vm14, $0xFFFFFFFF, v56  }
0x96: {  	v7 =	vld.idx.msk [tilespmem:v54+s19+$0xFFFFFFF0 ss:$0x1], $0xffff;
	[tilespmem:v44+s26+$0x0] =	vst.idx.msk vm0, v8;
	v1 =	vadd.s32 s13, v6;
	v8 =	vbroadcast v19, $0xF;
	v46 =	vadd.s32 v9, v45  }
0x97: {  	v15 =	vld.idx.msk [tilespmem:v54+s19+$0x0 ss:$0x1], $0xffff;
	v6 =	vadd.s32 v19, v1  }
0x98: {  	s1 =	sadd.s32 $0x40, s1;
	vm5 =	vmmov vm3;
	v20 =	vld.idx.msk [tilespmem:v26+s7+$0xFFFFFFF0 ss:$0x1], $0xffff;
	v50 =	vadd.s32 v8, v6  }
0x99: {  	v22 =	vbroadcast v11, $0xF;
	s15 =	sadd.s32 $0xFFFFFFE0, s1;
	v1 =	vsel vm5, $0xFFFFFFFF, v56;
	v8 =	vld.idx.msk [tilespmem:v4+s31+$0x0], $0xffff  }
0x9a: {  	v27 =	vld.idx.msk [tilespmem:v59+s7+$0x0 ss:$0x1], $0xffff;
	v21 =	vadd.s32 s15, v51;
	vm8 =	vne.s32 v14, v16;
	v1 =	vadd.s32 s11, v1;
	[tilespmem:v45+s26+$0x0] =	vst.idx.msk vm4, v10  }
0x9b: {  	vm6 =	vne.s32 v7, v23;
	v4 =	vsel vm8, $0x1, v56;
	v11 =	vadd.s32 v11, v1;
	[tilespmem:v46+s26+$0x0] =	vst.idx.msk vm4, v5  }
0x9c: {  	s17 =	simm.s32 $0x80;
	v47 =	vld.idx.msk [tilespmem:v59+s19+$0xFFFFFFE0 ss:$0x1], $0xffff;
	(xrf0) =	vadd.scan.msk.s32 $0xffff, v4;
	v9 =	vadd.s32 v22, v11;
	v5 =	vsel vm6, $0x1, v56;
	[tilespmem:v6+s26+$0x0] =	vst.idx.msk vm14, v18  }
0x9d: {  	v24 =	vld.idx.msk [tilespmem:v54+s17+$0xFFFFFFD0 ss:$0x1], $0xffff;
	v18 =	vmul.f32 v20, v28;
	(xrf0) =	vadd.scan.msk.s32 $0xffff, v5;
	[tilespmem:v50+s26+$0x0] =	vst.idx.msk vm14, v17  }
0x9e: {  	(v2sf) =	vpush v19, $0xF;
	v17, _, _ =	vpop (xrf2);
	vm10 =	vne.s32 v15, v8;
	v4 =	vld.idx.msk [tilespmem:v26+s19+$0xFFFFFFE0 ss:$0x1], $0xffff  }
0x9f: {  	v1 =	vld.idx.msk [tilespmem:v59+s7+$0x10 ss:$0x1], $0xffff;
	(xrf2) =	vadd.scan.msk.f32 $0xffff, v18;
	(v2sf) =	vpush v17, $0xF;
	v5 =	vsel vm10, $0x1, v56  }
0xa0: {  	[tilespmem:v11+s26+$0x0] =	vst.idx.msk vm3, v12;
	v12 =	vld.idx.msk [tilespmem:v26+s7+$0x0 ss:$0x1], $0xffff  }
0xa1: {  	s16 =	sadd.s32 $0x81A0, s14;
	v10 =	vld.idx.msk [tilespmem:v21+s31+$0x0], $0xffff;
	[tilespmem:v9+s26+$0x0] =	vst.idx.msk vm3, v13  }
0xa2: {  	v55 =	vmov s16;
	s20 =	simm.f32 $0.0e+00;
	(xrf0) =	vadd.scan.msk.s32 $0xffff, v5;
	v13 =	vld.idx.msk [tilespmem:v26+s7+$0x10 ss:$0x1], $0xffff;
	v5, _, _ =	vpop (xrf0)  }
0xa3: {  	v17 =	vadd.f32 s20, v17;
	(v2sf) =	vpush v5, $0xF;
	v18, _, _ =	vpop (xrf0);
	v4 =	vmul.f32 v4, v47  }
0xa4: {  	(v2sf) =	vpush v18, $0xF  }
0xa5: {  	v12 =	vmul.f32 v12, v27;
	(xrf2) =	vadd.scan.msk.f32 $0xffff, v4;
	v4 =	vsub.f32 $0.0e+00, v17  }
0xa6: {  	vm9 =	vne.s32 v24, v10;
	[tilespmem:v0+s28+$0x0] =	vst.idx.msk vm1, v17  }
0xa7: {  	v13 =	vmul.f32 v13, v1;
	(xrf2) =	vadd.scan.msk.f32 $0xffff, v12;
	v12 =	vsel vm9, $0x1, v56;
	[tilespmem:v2+s28+$0x0] =	vst.idx.msk vm1, v4  }
0xa8: {  	v17, _, _ =	vpop (xrf0);
	(xrf0) =	vadd.scan.msk.s32 $0xffff, v12;
	v12 =	vld.idx.msk [tilespmem:v55+s7+$0xFFFFFFE0 ss:$0x1], $0xffff  }
0xa9: {  	(v2sf) =	vpush v17, $0xF;
	(xrf2) =	vadd.scan.msk.f32 $0xffff, v13;
	v4, _, _ =	vpop (xrf2)  }
0xaa: {  	(v2sf) =	vpush v4, $0xF;
	_ =	sdelay $0x2  }
0xab: {  	s18 =	spop (v2sf);
	v12 =	vmul.f32 v12, v3  }
0xac: {  	vm2 =	vmmov vm0;
	v19, _, _ =	vpop (xrf0);
	s22 =	spop (v2sf)  }
0xad: {  	s2 =	sshll.u32 s18, $0x1;
	s8 =	sadd.f32 s22, s20;
	v25, _, _ =	vpop (xrf2);
	(xrf2) =	vadd.scan.msk.f32 $0xffff, v12;
	v12 =	vadd.s32 s1, v51  }
0xae: {  	s0 =	sadd.s32 s13, s2;
	v13 =	vsel vm8, $0xFFFFFFFF, v56;
	vm8 =	vmmov vm8;
	(v2sf) =	vpush v19, $0xF  }
0xaf: {  	v13 =	vadd.s32 s0, v13;
	v20, _, _ =	vpop (xrf2);
	(v2sf) =	vpush v25, $0xF;
	v4 =	vadd.f32 s8, v4  }
0xb0: {  	v21 =	vbroadcast v5, $0xF;
	v13 =	vadd.s32 v5, v13;
	(v2sf) =	vpush v20, $0xF;
	s23 =	spop (v2sf)  }
0xb1: {  	v29, _, _ =	vpop (xrf2);
	v22 =	vsub.f32 $0.0e+00, v4;
	s2 =	sshll.u32 s23, $0x1;
	s24 =	spop (v2sf)  }
0xb2: {  	vm0 =	vmmov vm10;
	v63 =	vadd.s32 v21, v13;
	(v2sf) =	vpush v29, $0xF;
	[tilespmem:v43+s28+$0x0] =	vst.idx.msk vm2, v4;
	s9 =	sshll.u32 s24, $0x1;
	s0 =	sadd.s32 s0, s2;
	v5 =	vld.idx.msk [tilespmem:v12+s31+$0x0], $0xffff  }
0xb3: {  	s25 =	sadd.s32 $0xFFFFFFF0, s1;
	v30 =	vsel vm0, $0xFFFFFFFF, v56;
	[tilespmem:v44+s28+$0x0] =	vst.idx.msk vm2, v22;
	s9 =	sadd.s32 s0, s9;
	v12 =	vld.idx.msk [tilespmem:v59+s19+$0xFFFFFFF0 ss:$0x1], $0xffff  }
0xb4: {  	v22 =	vadd.s32 s25, v51;
	v21 =	vld.idx.msk [tilespmem:v55+s7+$0xFFFFFFF0 ss:$0x1], $0xffff;
	v30 =	vadd.s32 s9, v30  }
0xb5: {  	vm11 =	vmmov vm4;
	s11 =	sadd.s32 $0x10, s1;
	[tilespmem:v13+s26+$0x0] =	vst.idx.msk vm8, v14;
	v14 =	vmov v13;
	v13 =	vld.idx.msk [tilespmem:v59+s19+$0x10 ss:$0x1], $0xffff  }
0xb6: {  	v31 =	vsel vm6, $0xFFFFFFFF, v56;
	v32 =	vadd.s32 s11, v51;
	s13 =	spop (v2sf);
	v33 =	vadd.s32 v17, v30  }
0xb7: {  	v40 =	vld.idx.msk [tilespmem:v54+s17+$0xFFFFFFE0 ss:$0x1], $0xffff;
	vm10 =	vmmov vm6;
	vm12 =	vmmov vm9;
	v31 =	vadd.s32 s0, v31;
	[tilespmem:v63+s26+$0x0] =	vst.idx.msk vm8, v16;
	s18 =	sshll.u32 s13, $0x1;
	s15 =	spop (v2sf);
	v30, _, _ =	vpop (xrf2)  }
0xb8: {  	v35 =	vsel vm12, $0xFFFFFFFF, v56;
	v38 =	vadd.s32 v18, v31;
	v34 =	vld.idx.msk [tilespmem:v26+s19+$0xFFFFFFF0 ss:$0x1], $0xffff;
	s22 =	sadd.s32 s9, s18;
	s16 =	sadd.f32 s15, s8;
	(v2sf) =	vpush v30, $0xF  }
0xb9: {  	v31 =	vbroadcast v19, $0xF;
	v41 =	vld.idx.msk [tilespmem:v22+s31+$0x0], $0xffff;
	v22 =	vadd.s32 s22, v35;
	v16 =	vmul.f32 v21, v28  }
0xba: {  	s1 =	sadd.s32 $0x40, s1;
	v4 =	vld.idx.msk [tilespmem:v54+s17+$0xFFFFFFF0 ss:$0x1], $0xffff;
	v18 =	vbroadcast v18, $0xF;
	[tilespmem:$0x1FF20] =	vst v13;
	v22 =	vadd.s32 v19, v22;
	v21 =	vadd.f32 s16, v20  }
0xbb: {  	s24 =	sadd.s32 $0xFFFFFFE0, s1;
	[tilespmem:v33+s26+$0x0] =	vst.idx.msk vm0, v15;
	v57 =	vadd.s32 v31, v22;
	(xrf2) =	vadd.scan.msk.f32 $0xffff, v16;
	v16 =	vbroadcast v17, $0xF  }
0xbc: {  	v36 =	vld.idx.msk [tilespmem:v54+s17+$0x0 ss:$0x1], $0xffff;
	v17 =	vadd.s32 s24, v51;
	v15 =	vsub.f32 $0.0e+00, v21;
	[tilespmem:v45+s28+$0x0] =	vst.idx.msk vm4, v21;
	v21 =	vadd.s32 v18, v38  }
0xbd: {  	s23 =	spop (v2sf);
	v18 =	vmul.f32 v34, v12;
	v34 =	vld.idx.msk [tilespmem:v59+s19+$0x0 ss:$0x1], $0xffff;
	v60 =	vadd.s32 v16, v33;
	[tilespmem:v38+s26+$0x0] =	vst.idx.msk vm10, v7;
	v16 =	vimm.s32 $0x0  }
0xbe: {  	v31 =	vld.idx.msk [tilespmem:v59+s17+$0xFFFFFFE0 ss:$0x1], $0xffff;
	vm13 =	vne.s32 v40, v41;
	s25 =	spop (v2sf);
	v16 =	vsel vm12, $0xFFFFFFFF, v16;
	[tilespmem:v46+s28+$0x0] =	vst.idx.msk vm11, v15  }
0xbf: {  	vm9 =	vne.s32 v4, v5;
	v20 =	vld.idx.msk [tilespmem:v32+s31+$0x0], $0xffff;
	s10 =	spop (v2sf);
	v15 =	vsel vm13, $0x1, v56;
	(xrf2) =	vadd.scan.msk.f32 $0xffff, v18;
	[tilespmem:$0x1FFE0] =	vst v16  }
0xc0: {  	v7 =	vsel vm9, $0x1, v56;
	s9 =	sadd.f32 s10, s16;
	(xrf0) =	vadd.scan.msk.s32 $0xffff, v15;
	[tilespmem:v22+s26+$0x0] =	vst.idx.msk vm12, v24;
	v15 =	vld.idx.msk [tilespmem:v55+s7+$0x0 ss:$0x1], $0xffff  }
0xc1: {  	s11 =	spop (v2sf);
	(xrf0) =	vadd.scan.msk.s32 $0xffff, v7;
	v7 =	vld.idx.msk [tilespmem:v17+s31+$0x0], $0xffff;
	[tilespmem:v57+s26+$0x0] =	vst.idx.msk vm12, v10  }
0xc2: {  	vm6 =	vmmov vm5;
	s10 =	sadd.f32 s11, s9;
	[tilespmem:v21+s26+$0x0] =	vst.idx.msk vm10, v23;
	v17 =	vld.idx.msk [tilespmem:v26+s17+$0xFFFFFFE0 ss:$0x1], $0xffff  }
0xc3: {  	vm7 =	vmmov vm2;
	vm6 =	vmmov vm6;
	s18 =	simm.s32 $0xC0;
	v10 =	vadd.f32 s9, v29;
	v18 =	vld.idx.msk [tilespmem:v26+s19+$0x0 ss:$0x1], $0xffff  }
0xc4: {  	vm2 =	vmmov vm7;
	[tilespmem:v60+s26+$0x0] =	vst.idx.msk vm0, v8;
	v29 =	vld.idx.msk [tilespmem:v54+s18+$0xFFFFFFD0 ss:$0x1], $0xffff;
	v23 =	vimm.s32 $0x0;
	v16 =	vadd.f32 s10, v25  }
0xc5: {  	vm12 =	vne.s32 v36, v20;
	v23 =	vsel vm2, $0xFFFFFFFF, v23;
	[tilespmem:v11+s28+$0x0] =	vst.idx.msk vm5, v10;
	v8 =	vsub.f32 $0.0e+00, v10  }
0xc6: {  	v10 =	vsel vm12, $0x1, v56;
	v19 =	vsub.f32 $0.0e+00, v16;
	[tilespmem:v6+s28+$0x0] =	vst.idx.msk vm14, v16;
	v15 =	vmul.f32 v15, v27  }
0xc7: {  	(xrf0) =	vadd.scan.msk.s32 $0xffff, v10;
	[tilespmem:$0x1FED0] =	vst v23;
	s15 =	spop (v2sf);
	v10 =	vmul.f32 v17, v31  }
0xc8: {  	vm7 =	vmmov vm8;
	[tilespmem:v50+s28+$0x0] =	vst.idx.msk vm14, v19;
	(xrf2) =	vadd.scan.msk.f32 $0xffff, v15;
	v15 =	vmul.f32 v18, v34;
	s9 =	sadd.f32 s15, s20  }
0xc9: {  	s2 =	sadd.f32 s25, s10;
	vm15 =	vne.s32 v29, v7;
	v16, _, _ =	vpop (xrf2);
	v23 =	vld.idx.msk [tilespmem:v26+s19+$0x10 ss:$0x1], $0xffff;
	[tilespmem:v9+s28+$0x0] =	vst.idx.msk vm6, v8;
	(xrf2) =	vadd.scan.msk.f32 $0xffff, v10  }
0xca: {  	s13 =	sadd.s32 $0xA120, s14;
	s8 =	sshll.u32 s23, $0x1;
	(v2sf) =	vpush v16, $0xF;
	v49 =	vld.idx.msk [tilespmem:v55+s19+$0xFFFFFFE0 ss:$0x1], $0xffff;
	v18, _, _ =	vpop (xrf2);
	v16 =	vadd.f32 s9, v16;
	(xrf2) =	vadd.scan.msk.f32 $0xffff, v15;
	v15 =	vsel vm15, $0x1, v56  }
0xcb: {  	s8 =	sadd.s32 s22, s8;
	v25 =	vmov s13;
	v24, _, _ =	vpop (xrf0);
	v19 =	vsel vm13, $0xFFFFFFFF, v56;
	v17 =	vld.idx.msk [tilespmem:v55+s7+$0x10 ss:$0x1], $0xffff;
	[tilespmem:$0x1FDD0] =	vst v43;
	v10 =	vadd.f32 s2, v18  }
0xcc: {  	v37 =	vbroadcast v24, $0xF;
	v8, _, _ =	vpop (xrf0);
	v19 =	vadd.s32 s8, v19;
	(v2sf) =	vpush v24, $0xF;
	[tilespmem:v43+s29+$0x0] =	vst.idx.msk vm2, v16  }
0xcd: {  	(v2sf) =	vpush v8, $0xF;
	(xrf0) =	vadd.scan.msk.s32 $0xffff, v15;
	v52 =	vsub.f32 $0.0e+00, v10;
	[tilespmem:$0x1FDE0] =	vst v47;
	v15, _, _ =	vpop (xrf0)  }
0xce: {  	v24 =	vadd.s32 v24, v19;
	v42 =	vmul.f32 v23, v13;
	[tilespmem:v14+s28+$0x0] =	vst.idx.msk vm7, v10;
	(v2sf) =	vpush v15, $0xF  }
0xcf: {  	v13 =	vadd.s32 v37, v24;
	v10 =	vsub.f32 $0.0e+00, v16;
	[tilespmem:v63+s28+$0x0] =	vst.idx.msk vm7, v52;
	(v2sf) =	vpush v18, $0xF  }
0xd0: {  	v32 =	vmul.f32 v49, v47;
	v16 =	vadd.f32 s20, v30;
	[tilespmem:$0x1FDF0] =	vst v44  }
0xd1: {  	v17 =	vmul.f32 v17, v1;
	(xrf2) =	vadd.scan.msk.f32 $0xffff, v42;
	[tilespmem:v44+s29+$0x0] =	vst.idx.msk vm2, v10  }
0xd2: {  	(xrf2) =	vadd.scan.msk.f32 $0xffff, v32;
	[tilespmem:v0+s29+$0x0] =	vst.idx.msk vm1, v16;
	v37 =	vld.idx.msk [tilespmem:v59+s17+$0xFFFFFFF0 ss:$0x1], $0xffff  }
0xd3: {  	(xrf2) =	vadd.scan.msk.f32 $0xffff, v17;
	v16 =	vsub.f32 $0.0e+00, v16;
	v17 =	vld.idx.msk [tilespmem:v55+s19+$0xFFFFFFF0 ss:$0x1], $0xffff;
	[tilespmem:v24+s26+$0x0] =	vst.idx.msk vm13, v40  }
0xd4: {  	v19 =	vld.idx.msk [tilespmem:v25+s7+$0xFFFFFFF0 ss:$0x1], $0xffff;
	[tilespmem:v13+s26+$0x0] =	vst.idx.msk vm13, v41  }
0xd5: {  	[tilespmem:v2+s29+$0x0] =	vst.idx.msk vm1, v16;
	v16 =	vld.idx.msk [tilespmem:v26+s17+$0xFFFFFFF0 ss:$0x1], $0xffff  }
0xd6: {  	v53 =	vld.idx.msk [tilespmem:v25+s7+$0xFFFFFFE0 ss:$0x1], $0xffff  }
0xd7: {  	v58 =	vadd.s32 s1, v51;
	v18, _, _ =	vpop (xrf2)  }
0xd8: {  	s16 =	sadd.s32 $0xFFFFFFF0, s1;
	v30, _, _ =	vpop (xrf0);
	v17 =	vmul.f32 v17, v12  }
0xd9: {  	v61 =	vadd.s32 s16, v51;
	(v2sf) =	vpush v18, $0xF;
	v10, _, _ =	vpop (xrf2);
	v19 =	vmul.f32 v19, v28  }
0xda: {  	(v2sf) =	vpush v30, $0xF;
	v40, _, _ =	vpop (xrf2);
	s22 =	spop (v2sf);
	(xrf2) =	vadd.scan.msk.f32 $0xffff, v17;
	v16 =	vmul.f32 v16, v37  }
0xdb: {  	[tilespmem:$0x1FE00] =	vst v12;
	(v2sf) =	vpush v10, $0xF;
	v42, _, _ =	vpop (xrf2);
	s24 =	spop (v2sf);
	(xrf2) =	vadd.scan.msk.f32 $0xffff, v19;
	v3 =	vmul.f32 v53, v3  }
0xdc: {  	(v2sf) =	vpush v40, $0xF;
	v23 =	vld.idx.msk [tilespmem:v58+s31+$0x0], $0xffff;
	v12, _, _ =	vpop (xrf2);
	s25 =	spop (v2sf);
	(xrf2) =	vadd.scan.msk.f32 $0xffff, v16  }
0xdd: {  	s23 =	sadd.s32 $0x10, s1;
	v62 =	vld.idx.msk [tilespmem:v54+s18+$0xFFFFFFF0 ss:$0x1], $0xffff;
	s0 =	sadd.f32 s22, s9;
	(v2sf) =	vpush v42, $0xF;
	v17, _, _ =	vpop (xrf2);
	(xrf2) =	vadd.scan.msk.f32 $0xffff, v3;
	s15 =	spop (v2sf)  }
0xde: {  	v47 =	vld.idx.msk [tilespmem:v61+s31+$0x0], $0xffff;
	v16 =	vadd.s32 s23, v51;
	(v2sf) =	vpush v17, $0xF;
	s22 =	spop (v2sf)  }
0xdf: {  	v49 =	vld.idx.msk [tilespmem:v54+s18+$0x0 ss:$0x1], $0xffff;
	v3 =	vadd.f32 s0, v18;
	s10 =	sadd.f32 s22, s2  }
0xe0: {  	vm10 =	vmmov vm10;
	v53 =	vld.idx.msk [tilespmem:v54+s18+$0xFFFFFFE0 ss:$0x1], $0xffff;
	[tilespmem:$0x1FE10] =	vst v45  }
0xe1: {  	v18 =	vsub.f32 $0.0e+00, v3;
	[tilespmem:v45+s29+$0x0] =	vst.idx.msk vm11, v3;
	v3 =	vadd.f32 s10, v40;
	_ =	sdelay $0x1  }
0xe2: {  	vm3 =	vmmov vm1;
	v28 =	vld.idx.msk [tilespmem:v16+s31+$0x0], $0xffff;
	[tilespmem:$0x1FE20] =	vst v46;
	v19 =	vsub.f32 $0.0e+00, v3  }
0xe3: {  	vm1 =	vmmov vm3;
	[tilespmem:v46+s29+$0x0] =	vst.idx.msk vm11, v18;
	v41, _, _ =	vpop (xrf2)  }
0xe4: {  	vm5 =	vmmov vm1;
	v18 =	vld.idx.msk [tilespmem:v25+s7+$0x0 ss:$0x1], $0xffff;
	[tilespmem:$0x1FE30] =	vst v23;
	v52, _, _ =	vpop (xrf2)  }
0xe5: {  	[tilespmem:v38+s28+$0x0] =	vst.idx.msk vm10, v3;
	v16, _, _ =	vpop (xrf2)  }
0xe6: {  	vm2 =	vmmov vm12;
	vm3 =	vne.s32 v62, v23;
	vm12 =	vne.s32 v53, v47;
	[tilespmem:v21+s28+$0x0] =	vst.idx.msk vm10, v19;
	v19, _, _ =	vpop (xrf2)  }
0xe7: {  	v44 =	vmovc v62;
	v58 =	vsel vm12, $0x1, v56;
	s23 =	spop (v2sf);
	v23 =	vimm.s32 $0x0;
	v62 =	vadd.f32 s20, v19  }
0xe8: {  	(xrf0) =	vadd.scan.msk.s32 $0xffff, v58;
	s2 =	spop (v2sf);
	v23 =	vsel vm15, $0xFFFFFFFF, v23;
	v3 =	vsel vm3, $0x1, v56;
	[tilespmem:$0x1FE40] =	vst v28  }
0xe9: {  	s0 =	sadd.f32 s23, s0;
	s9 =	spop (v2sf);
	(xrf0) =	vadd.scan.msk.s32 $0xffff, v3;
	v18 =	vmul.f32 v18, v27;
	v3 =	vld.idx.msk [tilespmem:v55+s19+$0x0 ss:$0x1], $0xffff;
	[tilespmem:$0x1FE50] =	vst v23;
	v27 =	vsub.f32 $0.0e+00, v62  }
0xea: {  	s16 =	spop (v2sf);
	[tilespmem:v0+s30+$0x0] =	vst.idx.msk vm5, v62  }
0xeb: {  	s11 =	sshll.u32 s24, $0x1;
	v17 =	vadd.f32 s0, v17;
	s24 =	spop (v2sf);
	[tilespmem:v2+s30+$0x0] =	vst.idx.msk vm5, v27  }
0xec: {  	s13 =	sshll.u32 s25, $0x1;
	s22 =	sadd.s32 s8, s11;
	s25 =	spop (v2sf);
	[tilespmem:$0x1FE60] =	vst v11  }
0xed: {  	v32 =	vsel vm9, $0xFFFFFFFF, v56;
	vm1 =	vmmov vm15;
	s15 =	sshll.u32 s15, $0x1;
	s13 =	sadd.s32 s22, s13;
	v0 =	vsub.f32 $0.0e+00, v17;
	s8 =	sadd.f32 s25, s0;
	[tilespmem:v11+s29+$0x0] =	vst.idx.msk vm6, v17  }
0xee: {  	v48 =	vsel vm1, $0xFFFFFFFF, v56;
	(xrf2) =	vadd.scan.msk.f32 $0xffff, v18;
	s0 =	sadd.s32 s13, s15;
	v2 =	vadd.s32 s22, v32;
	[tilespmem:$0x1FE70] =	vst v9  }
0xef: {  	v18 =	vadd.s32 s0, v48;
	v3 =	vmul.f32 v3, v34;
	v11 =	vadd.f32 s8, v12;
	[tilespmem:v9+s29+$0x0] =	vst.idx.msk vm6, v0  }
0xf0: {  	s10 =	sadd.f32 s16, s10;
	v17 =	vbroadcast v30, $0xF;
	v9 =	vadd.s32 v30, v18;
	v18 =	vadd.s32 v8, v2;
	v2 =	vld.idx.msk [tilespmem:v25+s7+$0x10 ss:$0x1], $0xffff;
	[tilespmem:$0x1FE80] =	vst v6  }
0xf1: {  	vm4 =	vmmov vm14;
	(xrf2) =	vadd.scan.msk.f32 $0xffff, v3;
	v3 =	vsub.f32 $0.0e+00, v11;
	[tilespmem:v6+s29+$0x0] =	vst.idx.msk vm14, v11  }
0xf2: {  	v58 =	vbroadcast v8, $0xF;
	v8 =	vadd.f32 s10, v42;
	v43 =	vadd.s32 v17, v9;
	[tilespmem:$0x1FE90] =	vst v50  }
0xf3: {  	vm4 =	vmmov vm4;
	v6 =	vimm.s32 $0x0;
	[tilespmem:v50+s29+$0x0] =	vst.idx.msk vm14, v3  }
0xf4: {  	v6 =	vsel vm4, $0xFFFFFFFF, v6;
	[tilespmem:v33+s28+$0x0] =	vst.idx.msk vm0, v8  }
0xf5: {  	v40 =	vld.idx.msk [tilespmem:v59+s18+$0xFFFFFFE0 ss:$0x1], $0xffff;
	[tilespmem:$0x1FF40] =	vst v6  }
0xf6: {  	[tilespmem:v9+s26+$0x0] =	vst.idx.msk vm1, v29  }
0xf7: {  	[tilespmem:v43+s26+$0x0] =	vst.idx.msk vm1, v7  }
0xf8: {  	v7 =	vld [tilespmem:$0x1FFE0];
	_ =	sdelay $0x2  }
0xf9: {  	vm9 =	vmmov vm9  }
0xfa: {  	vm8 =	vmmov vm13;
	vm13 =	vmmov vm11;
	v35 =	vsel vm2, $0xFFFFFFFF, v56  }
0xfb: {  	(v2sf) =	vpush v12, $0xF;
	v12 =	vadd.s32 v58, v18;
	vm4 =	vnez.u8 v7  }
0xfc: {  	v7 =	vimm.s32 $0x0;
	vm5 =	vmmov vm4;
	vm4 =	vmmov vm13  }
0xfd: {  	v3 =	vadd.s32 s13, v35;
	v7 =	vsel vm4, $0xFFFFFFFF, v7  }
0xfe: {  	v3 =	vadd.s32 v15, v3;
	v50 =	vld.idx.msk [tilespmem:v59+s17+$0x0 ss:$0x1], $0xffff;
	[tilespmem:$0x1FEA0] =	vst v7  }
0xff: {  	[tilespmem:v18+s26+$0x0] =	vst.idx.msk vm9, v4  }
0x100: {  	(v2sf) =	vpush v41, $0xF;
	s7 =	sadd.s32 $0x40, s1;
	v17 =	vbroadcast v15, $0xF;
	[tilespmem:v12+s26+$0x0] =	vst.idx.msk vm9, v5;
	v5 =	vimm.s32 $0x0  }
0x101: {  	vm11 =	vne.s32 v49, v28;
	s1 =	sadd.s32 $0xFFFFFFE0, s7;
	v1 =	vmul.f32 v2, v1;
	v2 =	vld.idx.msk [tilespmem:v26+s18+$0xFFFFFFE0 ss:$0x1], $0xffff;
	v5 =	vsel vm2, $0xFFFFFFFF, v5  }
0x102: {  	vm0 =	vmmov vm0;
	v15 =	vadd.s32 s1, v51;
	v6 =	vadd.s32 v17, v3;
	v42 =	vld.idx.msk [tilespmem:v59+s17+$0x10 ss:$0x1], $0xffff;
	[tilespmem:$0x1FFC0] =	vst v5  }
0x103: {  	v23 =	vmovc v34;
	v34 =	vmovc v3;
	vm13 =	vmmov vm0;
	vm0 =	vmmov vm6;
	[tilespmem:v3+s26+$0x0] =	vst.idx.msk vm2, v36;
	v3 =	vimm.s32 $0x0  }
0x104: {  	v61 =	vsel vm11, $0x1, v56;
	v3 =	vsel vm0, $0xFFFFFFFF, v3  }
0x105: {  	(xrf0) =	vadd.scan.msk.s32 $0xffff, v61;
	s16 =	sadd.f32 s24, s10;
	[tilespmem:$0x1FEB0] =	vst v3  }
0x106: {  	v5 =	vld.idx.msk [tilespmem:v26+s17+$0x0 ss:$0x1], $0xffff  }
0x107: {  	v10 =	vadd.f32 s16, v10;
	s13 =	simm.s32 $0x100;
	v58 =	vld.idx.msk [tilespmem:v15+s31+$0x0], $0xffff;
	[tilespmem:v6+s26+$0x0] =	vst.idx.msk vm2, v20  }
0x108: {  	v62 =	vld.idx.msk [tilespmem:v54+s13+$0xFFFFFFD0 ss:$0x1], $0xffff;
	[tilespmem:$0x1FEC0] =	vst v22  }
0x109: {  	v27, _, _ =	vpop (xrf0);
	[tilespmem:v22+s28+$0x0] =	vst.idx.msk vm5, v10  }
0x10a: {  	(v2sf) =	vpush v27, $0xF;
	v61, _, _ =	vpop (xrf0);
	v35 =	vmov v6;
	v6 =	vld [tilespmem:$0x1FED0]  }
0x10b: {  	(v2sf) =	vpush v61, $0xF;
	v0, _, _ =	vpop (xrf0)  }
0x10c: {  	(v2sf) =	vpush v0, $0xF  }
0x10d: {  	(v2sf) =	vpush v16, $0xF  }
0x10e: {  	vm15 =	vmmov vm8;
	vm10 =	vmmov vm10;
	(v2sf) =	vpush v19, $0xF  }
0x10f: {  	s24 =	spop (v2sf);
	(v2sf) =	vpush v52, $0xF;
	vm4 =	vmmov vm7;
	vm0 =	vnez.u8 v6  }
0x110: {  	s25 =	sadd.f32 s24, s8;
	v17 =	vadd.s32 s7, v51;
	v6 =	vimm.s32 $0x0;
	vm0 =	vmmov vm0  }
0x111: {  	s9 =	sadd.f32 s9, s16;
	s11 =	spop (v2sf);
	(xrf2) =	vadd.scan.msk.f32 $0xffff, v1;
	v1 =	vsub.f32 $0.0e+00, v10;
	v4, _, _ =	vpop (xrf2);
	v2 =	vmul.f32 v2, v40;
	v6 =	vsel vm0, $0xFFFFFFFF, v6  }
0x112: {  	s8 =	sadd.f32 s11, s25;
	v8 =	vsub.f32 $0.0e+00, v8;
	v7 =	vsel vm12, $0xFFFFFFFF, v56;
	(v2sf) =	vpush v4, $0xF;
	v15, _, _ =	vpop (xrf2);
	[tilespmem:$0x1FEE0] =	vst v6  }
0x113: {  	s15 =	sshll.u32 s2, $0x1;
	(xrf2) =	vadd.scan.msk.f32 $0xffff, v2;
	(v2sf) =	vpush v15, $0xF;
	v10 =	vadd.f32 s25, v41;
	[tilespmem:v57+s28+$0x0] =	vst.idx.msk vm5, v1  }
0x114: {  	s1 =	sadd.s32 s0, s15;
	v2 =	vmul.f32 v5, v50;
	v5 =	vadd.f32 s8, v15;
	v15 =	vadd.f32 s9, v16;
	[tilespmem:v60+s28+$0x0] =	vst.idx.msk vm13, v8  }
0x115: {  	v11 =	vmov v21;
	v7 =	vadd.s32 s1, v7;
	v46 =	vld.idx.msk [tilespmem:v17+s31+$0x0], $0xffff;
	[tilespmem:v14+s29+$0x0] =	vst.idx.msk vm4, v10  }
0x116: {  	s22 =	sadd.s32 $0x10, s7;
	s23 =	sadd.s32 $0xFFFFFFF0, s7;
	v41 =	vadd.s32 v27, v7;
	v7 =	vsub.f32 $0.0e+00, v15;
	v1 =	vld.idx.msk [tilespmem:v26+s17+$0x10 ss:$0x1], $0xffff;
	[tilespmem:v24+s28+$0x0] =	vst.idx.msk vm15, v15  }
0x117: {  	v19 =	vadd.s32 s23, v51;
	v3 =	vadd.s32 s22, v51;
	v6 =	vimm.s32 $0x0;
	v51 =	vld.idx.msk [tilespmem:v54+s13+$0xFFFFFFF0 ss:$0x1], $0xffff;
	[tilespmem:v38+s29+$0x0] =	vst.idx.msk vm10, v5  }
0x118: {  	v5 =	vsub.f32 $0.0e+00, v5;
	v6 =	vsel vm10, $0xFFFFFFFF, v6;
	v16 =	vld.idx.msk [tilespmem:v55+s17+$0xFFFFFFE0 ss:$0x1], $0xffff;
	[tilespmem:v13+s28+$0x0] =	vst.idx.msk vm15, v7  }
0x119: {  	(xrf2) =	vadd.scan.msk.f32 $0xffff, v2;
	v2 =	vld.idx.msk [tilespmem:v55+s19+$0x10 ss:$0x1], $0xffff;
	[tilespmem:$0x1FEF0] =	vst v6  }
0x11a: {  	v6 =	vimm.s32 $0x0;
	[tilespmem:v11+s29+$0x0] =	vst.idx.msk vm10, v5  }
0x11b: {  	v7 =	vsub.f32 $0.0e+00, v10;
	v6 =	vsel vm4, $0xFFFFFFFF, v6;
	[tilespmem:$0x1FF00] =	vst v55  }
0x11c: {  	v5 =	vld.idx.msk [tilespmem:v55+s17+$0xFFFFFFF0 ss:$0x1], $0xffff;
	[tilespmem:$0x1FF10] =	vst v6  }
0x11d: {  	[tilespmem:v63+s29+$0x0] =	vst.idx.msk vm4, v7  }
0x11e: {  	v6 =	vld [tilespmem:$0x1FF20];
	_ =	sdelay $0x4  }
0x11f: {  	v45 =	vmov v12;
	v12 =	vmov v6;
	v2 =	vmul.f32 v2, v6;
	v6 =	vld [tilespmem:$0x1FF40];
	_ =	sdelay $0x3  }
0x120: {  	v39 =	vmovc v18;
	vm14 =	vmmov vm9;
	vm6 =	vmmov vm12;
	s16 =	spop (v2sf);
	v18 =	vbroadcast v27, $0xF  }
0x121: {  	vm9 =	vmmov vm11;
	s22 =	spop (v2sf);
	vm8 =	vne.s32 v62, v58;
	vm2 =	vnez.u8 v6  }
0x122: {  	s0 =	spop (v2sf);
	v15 =	vsel vm8, $0x1, v56;
	v6 =	vimm.s32 $0x0;
	vm2 =	vmmov vm2  }
0x123: {  	s2 =	sshll.u32 s16, $0x1;
	s11 =	spop (v2sf);
	v36 =	vadd.s32 v18, v41;
	(xrf0) =	vadd.scan.msk.s32 $0xffff, v15;
	v15 =	vld.idx.msk [tilespmem:v25+s19+$0x0 ss:$0x1], $0xffff;
	[tilespmem:$0x1FF30] =	vst v25;
	v6 =	vsel vm2, $0xFFFFFFFF, v6  }
0x124: {  	s1 =	sadd.s32 s1, s2;
	s10 =	sshll.u32 s22, $0x1;
	s23 =	spop (v2sf);
	v1 =	vmul.f32 v1, v42;
	v18 =	vld.idx.msk [tilespmem:v25+s19+$0xFFFFFFF0 ss:$0x1], $0xffff;
	vm2 =	vmmov vm5;
	[tilespmem:$0x1FF50] =	vst v6;
	v6 =	vimm.s32 $0x0  }
0x125: {  	s10 =	sadd.s32 s1, s10;
	s24 =	sadd.f32 s23, s20;
	v17 =	vsel vm9, $0xFFFFFFFF, v56;
	v6 =	vsel vm2, $0xFFFFFFFF, v6  }
0x126: {  	v27, _, _ =	vpop (xrf2);
	vm0 =	vne.s32 v51, v46;
	(xrf2) =	vadd.scan.msk.f32 $0xffff, v1;
	v1 =	vadd.s32 s10, v17;
	[tilespmem:$0x1FF60] =	vst v6  }
0x127: {  	s25 =	spop (v2sf);
	v55 =	vadd.f32 s24, v52;
	v52 =	vadd.s32 v0, v1;
	v1 =	vld.idx.msk [tilespmem:v59+s18+$0xFFFFFFF0 ss:$0x1], $0xffff;
	[tilespmem:v41+s26+$0x0] =	vst.idx.msk vm6, v53  }
0x128: {  	s16 =	sadd.f32 s25, s24;
	v8 =	vsel vm3, $0xFFFFFFFF, v56;
	v7 =	vsel vm0, $0x1, v56;
	v56 =	vld.idx.msk [tilespmem:v19+s31+$0x0], $0xffff;
	[tilespmem:$0x1FF70] =	vst v59  }
0x129: {  	[tilespmem:v36+s26+$0x0] =	vst.idx.msk vm6, v47  }
0x12a: {  	v48 =	vmov v63;
	v63 =	vadd.f32 s16, v4;
	v4 =	vld [tilespmem:$0x1FFC0];
	_ =	sdelay $0x4  }
0x12b: {  	vm12 =	vmmov vm1;
	v53 =	vld.idx.msk [tilespmem:v59+s18+$0x10 ss:$0x1], $0xffff;
	[tilespmem:$0x1FF80] =	vst v54;
	vm1 =	vnez.u8 v4  }
0x12c: {  	v59 =	vld.idx.msk [tilespmem:v54+s13+$0xFFFFFFE0 ss:$0x1], $0xffff;
	[tilespmem:$0x1FF90] =	vst v26;
	v4 =	vimm.s32 $0x0;
	vm1 =	vmmov vm1  }
0x12d: {  	v17 =	vld.idx.msk [tilespmem:v26+s18+$0xFFFFFFF0 ss:$0x1], $0xffff;
	v4 =	vsel vm1, $0xFFFFFFFF, v4  }
0x12e: {  	[tilespmem:$0x1FFD0] =	vst v4;
	v4 =	vld [tilespmem:$0x1FFE0]  }
0x12f: {  	s25 =	spop (v2sf);
	v16 =	vmul.f32 v16, v31  }
0x130: {  	v21 =	vmovc v13;
	v30 =	vmovc v43;
	vm7 =	vmmov vm13;
	(v2sf) =	vpush v27, $0xF;
	s25 =	sadd.f32 s25, s16;
	vm3 =	vmmov vm3  }
0x131: {  	v10 =	vadd.s32 s1, v8;
	vm10 =	vmmov vm9;
	v8, _, _ =	vpop (xrf0);
	(xrf2) =	vadd.scan.msk.f32 $0xffff, v16;
	v16 =	vmul.f32 v5, v37  }
0x132: {  	s21 =	sadd.s32 $0xEF80, s21;
	s2 =	simm.s32 $0x400;
	v20 =	vmovc v24;
	s22 =	sor.u32 $0xD000, s14;
	v0 =	vbroadcast v0, $0xF;
	(v2sf) =	vpush v8, $0xF;
	(xrf2) =	vadd.scan.msk.f32 $0xffff, v2;
	v2 =	vadd.f32 s25, v27  }
0x133: {  	s0 =	sshll.u32 s0, $0x1;
	s15 =	sadd.f32 s11, s9;
	s20 =	sadd.s32 $0xF81, s12;
	v5, _, _ =	vpop (xrf2);
	(xrf2) =	vadd.scan.msk.f32 $0xffff, v16;
	[tilespmem:$0x1FFA0] =	vst v9;
	vm4 =	vnez.u8 v4;
	v4 =	vimm.s32 $0x0  }
0x134: {  	s23 =	sadd.s32 $0x7180, s14;
	s12 =	sadd.s32 $0xB080, s14;
	v24 =	vmovc v31;
	s1 =	simm.s32 $0x10;
	v27 =	vmovc v9;
	vm2 =	vmmov vm9;
	v47 =	vadd.s32 v0, v52;
	[tilespmem:$0x1FFB0] =	vst v57;
	v4 =	vsel vm4, $0xFFFFFFFF, v4  }
0x135: {  	s24 =	sadd.s32 $0x9100, s14;
	s14 =	sadd.s32 s10, s0;
	s0 =	spop (v2sf);
	v19, _, _ =	vpop (xrf2);
	v0 =	vsub.f32 $0.0e+00, v63;
	v54 =	vsub.f32 $0.0e+00, v55;
	vm1 =	vmmov vm8;
	[tilespmem:$0x1FFF0] =	vst v4  }
.LBB2_6:
0x136: {  	v4 =	vld [tilespmem:$0x1FE50];
	_ =	sdelay $0x4  }
0x137: {  	vm4 =	vnez.u8 v4;
	v4 =	vimm.s32 $0x0  }
0x138: {  	v4 =	vsel vm4, $0xFFFFFFFF, v4  }
0x139: {  	[tilespmem:$0x1FDB0] =	vst v4;
	v4 =	vimm.s32 $0x0  }
0x13a: {  	v4 =	vsel vm8, $0xFFFFFFFF, v4  }
0x13b: {  	[tilespmem:$0x1FE50] =	vst v4;
	v4 =	vld [tilespmem:$0x1FE00];
	_ =	sdelay $0x4  }
0x13c: {  	v18 =	vmul.f32 v18, v4;
	v4 =	vld [tilespmem:$0x1FEA0];
	_ =	sdelay $0x2  }
0x13d: {  	v6 =	vld [tilespmem:$0x1FE10];
	_ =	sdelay $0x1  }
0x13e: {  	vm5 =	vnez.u8 v4;
	_ =	sdelay $0x2  }
0x13f: {  	v4 =	vmov v37  }
0x140: {  	[tilespmem:$0x1FE00] =	vst v4;
	v4 =	vld [tilespmem:$0x1FEB0];
	_ =	sdelay $0x1  }
0x141: {  	v31 =	vld [tilespmem:$0x1FF80];
	[tilespmem:v6+s30+$0x0] =	vst.idx.msk vm5, v63;
	v6 =	vmov v38  }
0x142: {  	[tilespmem:$0x1FE10] =	vst v6;
	v6 =	vld [tilespmem:$0x1FE60];
	_ =	sdelay $0x1  }
0x143: {  	vm4 =	vnez.u8 v4;
	_ =	sdelay $0x5  }
0x144: {  	v28 =	vmov v50;
	v50 =	vld.idx.msk [tilespmem:v31+s13+$0x0 ss:$0x1], $0xffff;
	[tilespmem:v6+s30+$0x0] =	vst.idx.msk vm4, v2  }
0x145: {  	v63 =	vld.idx.msk [tilespmem:v3+s31+$0x0], $0xffff  }
0x146: {  	v3 =	vld [tilespmem:$0x1FE20];
	_ =	sdelay $0x1  }
0x147: {  	v37 =	vmov v1;
	v1 =	vld [tilespmem:$0x1FEF0];
	_ =	sdelay $0x1  }
0x148: {  	v4 =	vld [tilespmem:$0x1FEE0];
	_ =	sdelay $0x1  }
0x149: {  	v32 =	vmov v30;
	v30 =	vld [tilespmem:$0x1FF30];
	vm9 =	vmmov vm7  }
0x14a: {  	vm13 =	vmmov vm10;
	v9 =	vmovc v60;
	v60 =	vimm.s32 $0x0;
	vm7 =	vnez.u8 v1;
	v38 =	vmovc v39;
	v6 =	vld [tilespmem:$0x1FDD0];
	[tilespmem:v52+s26+$0x0] =	vst.idx.msk vm10, v49  }
0x14b: {  	v1 =	vimm.s32 $0x0;
	vm10 =	vne.s32 v59, v56;
	[tilespmem:v3+s30+$0x0] =	vst.idx.msk vm5, v0;
	vm5 =	vmmov vm7;
	v3 =	vld [tilespmem:$0x1FE70]  }
0x14c: {  	v0 =	vmovc v11;
	v11 =	vsel vm10, $0x1, v60;
	v1 =	vsel vm5, $0xFFFFFFFF, v1;
	vm5 =	vnez.u8 v4  }
0x14d: {  	(xrf0) =	vadd.scan.msk.s32 $0xffff, v11;
	v11 =	vld [tilespmem:$0x1FF00];
	[tilespmem:$0x1FEA0] =	vst v1;
	v1 =	vadd.f32 s15, v19  }
0x14e: {  	[tilespmem:$0x1FDC0] =	vst v43  }
0x14f: {  	v16, _, _ =	vpop (xrf2);
	v2 =	vsub.f32 $0.0e+00, v2;
	[tilespmem:v38+s28+$0x0] =	vst.idx.msk vm14, v1;
	v1 =	vsub.f32 $0.0e+00, v1  }
0x150: {  	v25 =	vmul.f32 v15, v23;
	v15, _, _ =	vpop (xrf2);
	(xrf2) =	vadd.scan.msk.f32 $0xffff, v18;
	[tilespmem:$0x1FE20] =	vst v0  }
0x151: {  	v26 =	vmov v33;
	v43 =	vld.idx.msk [tilespmem:v30+s19+$0xFFFFFFE0 ss:$0x1], $0xffff;
	[tilespmem:v45+s28+$0x0] =	vst.idx.msk vm14, v1  }
0x152: {  	s8 =	sadd.f32 s0, s8;
	v0 =	vbroadcast v61, $0xF;
	v1 =	vld [tilespmem:$0x1FDE0];
	[tilespmem:v6+s30+$0x0] =	vst.idx.msk vm5, v55  }
0x153: {  	v13 =	vadd.s32 v61, v10;
	v6 =	vmov v14;
	[tilespmem:v3+s30+$0x0] =	vst.idx.msk vm4, v2;
	v3 =	vmul.f32 v17, v37;
	v2, _, _ =	vpop (xrf2)  }
0x154: {  	[tilespmem:$0x1FDD0] =	vst v6;
	v6 =	vadd.s32 v0, v13;
	v0 =	vadd.f32 s8, v2  }
0x155: {  	(xrf2) =	vadd.scan.msk.f32 $0xffff, v3;
	v3 =	vld.idx.msk [tilespmem:v11+s17+$0x0 ss:$0x1], $0xffff  }
0x156: {  	[tilespmem:v26+s29+$0x0] =	vst.idx.msk vm9, v0;
	v0 =	vsub.f32 $0.0e+00, v0  }
0x157: {  	v1 =	vmul.f32 v43, v1;
	_ =	sdelay $0x1  }
0x158: {  	(v2sf) =	vpush v5, $0xF;
	v23 =	vmov v28;
	v10, _, _ =	vpop (xrf2);
	(xrf2) =	vadd.scan.msk.f32 $0xffff, v1  }
0x159: {  	s9 =	spop (v2sf);
	(v2sf) =	vpush v19, $0xF;
	[tilespmem:v9+s29+$0x0] =	vst.idx.msk vm9, v0;
	v0, _, _ =	vpop (xrf2);
	(xrf2) =	vadd.scan.msk.f32 $0xffff, v25;
	v25 =	vmul.f32 v3, v28;
	v28 =	vld [tilespmem:$0x1FF70]  }
0x15a: {  	(v2sf) =	vpush v16, $0xF;
	v49 =	vmov v50  }
0x15b: {  	vm8 =	vmmov vm11;
	vm11 =	vne.s32 v49, v63;
	(v2sf) =	vpush v2, $0xF;
	v2 =	vmovc v24  }
0x15c: {  	(xrf0) =	vadd.scan.msk.s32 $0xffff, v7;
	v14 =	vsel vm11, $0x1, v60;
	[tilespmem:$0x1FDE0] =	vst v2;
	v2 =	vsel vm1, $0xFFFFFFFF, v60  }
0x15d: {  	(xrf0) =	vadd.scan.msk.s32 $0xffff, v14;
	v14 =	vadd.s32 s14, v2;
	v2 =	vbroadcast v8, $0xF  }
0x15e: {  	v18 =	vadd.s32 v8, v14  }
0x15f: {  	v43 =	vadd.s32 v2, v18;
	v2 =	vld [tilespmem:$0x1FDF0]  }
0x160: {  	v17 =	vld.idx.msk [tilespmem:v30+s19+$0x10 ss:$0x1], $0xffff;
	s19 =	smov.u32 s17;
	s17 =	smov.u32 s18  }
0x161: {  	v50 =	vld.idx.msk [tilespmem:v28+s17+$0x0 ss:$0x1], $0xffff  }
0x162: {  	v39 =	vmov v13;
	[tilespmem:v13+s26+$0x0] =	vst.idx.msk vm3, v44;
	v13 =	vld [tilespmem:$0x1FF10];
	_ =	sdelay $0x2  }
0x163: {  	v14 =	vmov v48  }
0x164: {  	vm4 =	vmmov vm9;
	v8 =	vimm.s32 $0x0  }
0x165: {  	v8 =	vsel vm4, $0xFFFFFFFF, v8;
	[tilespmem:$0x1FDF0] =	vst v14;
	vm4 =	vnez.u8 v13  }
0x166: {  	v14 =	vmov v21;
	v21 =	vld [tilespmem:$0x1FE30];
	[tilespmem:v2+s30+$0x0] =	vst.idx.msk vm5, v54;
	v13 =	vimm.s32 $0x0;
	vm5 =	vmmov vm4  }
0x167: {  	v13 =	vsel vm5, $0xFFFFFFFF, v13  }
0x168: {  	[tilespmem:$0x1FEE0] =	vst v13;
	v13 =	vld [tilespmem:$0x1FFD0];
	_ =	sdelay $0x1  }
0x169: {  	[tilespmem:$0x1FE60] =	vst v26  }
0x16a: {  	v29 =	vmov v45;
	v45 =	vmov v6;
	[tilespmem:v6+s26+$0x0] =	vst.idx.msk vm3, v21;
	v6 =	vmov v46  }
0x16b: {  	v7 =	vsel vm10, $0xFFFFFFFF, v60;
	v26 =	vlaneseq.u32;
	[tilespmem:$0x1FE30] =	vst v6;
	v6 =	vimm.s32 $0x0  }
0x16c: {  	s7 =	sadd.s32 $0x40, s7;
	vm5 =	vmmov vm15;
	vm15 =	vmmov vm6;
	vm4 =	vnez.u8 v13  }
0x16d: {  	s10 =	sadd.s32 $0xFFFFFFE0, s7;
	vm6 =	vmmov vm10;
	vm10 =	vmmov vm4;
	vm4 =	vmmov vm13  }
0x16e: {  	v19 =	vadd.s32 s10, v26;
	v6 =	vsel vm4, $0xFFFFFFFF, v6  }
0x16f: {  	[tilespmem:$0x1FFD0] =	vst v6;
	v6 =	vld [tilespmem:$0x1FFC0]  }
0x170: {  	s18 =	smov.u32 s13  }
0x171: {  	v4 =	vmov v40;
	v40 =	vld.idx.msk [tilespmem:v28+s18+$0xFFFFFFE0 ss:$0x1], $0xffff;
	[tilespmem:v18+s26+$0x0] =	vst.idx.msk vm1, v62  }
0x172: {  	s11 =	spop (v2sf);
	[tilespmem:v43+s26+$0x0] =	vst.idx.msk vm1, v58  }
0x173: {  	s0 =	spop (v2sf);
	v58 =	vld.idx.msk [tilespmem:v19+s31+$0x0], $0xffff;
	v19 =	vadd.s32 s7, v26  }
0x174: {  	s25 =	sadd.f32 s9, s25;
	s9 =	sshll.u32 s11, $0x1;
	s11 =	spop (v2sf);
	vm4 =	vmmov vm14;
	vm14 =	vmmov vm3;
	vm3 =	vnez.u8 v6  }
0x175: {  	v22 =	vmov v34;
	s10 =	sadd.f32 s11, s15;
	s11 =	spop (v2sf)  }
0x176: {  	s15 =	spop (v2sf)  }
0x177: {  	s8 =	sadd.f32 s15, s8  }
0x178: {  	v16 =	vadd.f32 s10, v16;
	v46 =	vld.idx.msk [tilespmem:v19+s31+$0x0], $0xffff  }
0x179: {  	(v2sf) =	vpush v15, $0xF;
	v19 =	vadd.f32 s8, v15;
	v15 =	vld [tilespmem:$0x1FF50]  }
0x17a: {  	v6 =	vimm.s32 $0x0;
	[tilespmem:v22+s28+$0x0] =	vst.idx.msk vm3, v16;
	vm3 =	vmmov vm8  }
0x17b: {  	v13 =	vld [tilespmem:$0x1FF90];
	v6 =	vsel vm3, $0xFFFFFFFF, v6  }
0x17c: {  	[tilespmem:$0x1FFC0] =	vst v6;
	v6 =	vld [tilespmem:$0x1FE80]  }
0x17d: {  	(v2sf) =	vpush v10, $0xF;
	v1, _, _ =	vpop (xrf0)  }
0x17e: {  	(v2sf) =	vpush v1, $0xF;
	v61, _, _ =	vpop (xrf0);
	vm9 =	vnez.u8 v15  }
0x17f: {  	v33 =	vmov v20;
	s2 =	sadd.s32 $0x100, s2;
	s13 =	sadd.s32 $0x10, s7;
	(v2sf) =	vpush v61, $0xF;
	v2, _, _ =	vpop (xrf0)  }
0x180: {  	v20 =	vmov v41;
	v3 =	vadd.s32 s13, v26;
	s13 =	sshra.s32 s2, $0x2;
	v41, _, _ =	vpop (xrf2);
	(v2sf) =	vpush v2, $0xF  }
0x181: {  	v17 =	vmul.f32 v17, v12;
	(xrf2) =	vadd.scan.msk.f32 $0xffff, v25;
	(v2sf) =	vpush v41, $0xF;
	v25, _, _ =	vpop (xrf2);
	v62 =	vld.idx.msk [tilespmem:v31+s13+$0xFFFFFFD0 ss:$0x1], $0xffff  }
0x182: {  	(v2sf) =	vpush v25, $0xF;
	v25 =	vadd.f32 s25, v25;
	v15 =	vld [tilespmem:$0x1FFA0]  }
0x183: {  	(xrf2) =	vadd.scan.msk.f32 $0xffff, v17;
	v17 =	vld.idx.msk [tilespmem:v13+s18+$0xFFFFFFE0 ss:$0x1], $0xffff  }
0x184: {  	[tilespmem:v6+s30+$0x0] =	vst.idx.msk vm9, v25;
	v6 =	vld [tilespmem:$0x1FEC0];
	_ =	sdelay $0x3  }
0x185: {  	s16 =	sadd.s32 $0xFFFFFFF0, s7  }
0x186: {  	[tilespmem:$0x1FE70] =	vst v9;
	v9 =	vmovc v47;
	v47 =	vadd.s32 s16, v26;
	v26 =	vmov v6;
	v6 =	vmov v15  }
0x187: {  	[tilespmem:$0x1FEC0] =	vst v6;
	v6 =	vld [tilespmem:$0x1FE40]  }
0x188: {  	s10 =	sadd.f32 s11, s10;
	s16 =	spop (v2sf)  }
0x189: {  	v34 =	vmov v52;
	s8 =	sadd.f32 s16, s8  }
0x18a: {  	v48 =	vmov v42;
	v5 =	vadd.f32 s10, v5;
	(v2sf) =	vpush v0, $0xF;
	v52, _, _ =	vpop (xrf2);
	s16 =	spop (v2sf)  }
0x18b: {  	[tilespmem:$0x1FEB0] =	vst v8;
	v42 =	vmov v53;
	(v2sf) =	vpush v52, $0xF;
	v53 =	vadd.f32 s8, v10;
	s8 =	sadd.f32 s16, s8;
	v10, _, _ =	vpop (xrf2)  }
0x18c: {  	v24 =	vmov v35;
	v12 =	vmov v36;
	(v2sf) =	vpush v10, $0xF;
	v36 =	vld.idx.msk [tilespmem:v13+s17+$0x0 ss:$0x1], $0xffff;
	[tilespmem:v9+s26+$0x0] =	vst.idx.msk vm2, v6  }
0x18d: {  	v10 =	vadd.f32 s8, v10;
	[tilespmem:v27+s28+$0x0] =	vst.idx.msk vm12, v5;
	v15 =	vsub.f32 $0.0e+00, v5;
	v6 =	vmov v63;
	v5 =	vld.idx.msk [tilespmem:v13+s17+$0x10 ss:$0x1], $0xffff  }
0x18e: {  	s0 =	sadd.f32 s0, s10;
	[tilespmem:v33+s29+$0x0] =	vst.idx.msk vm5, v53  }
0x18f: {  	s9 =	sadd.s32 s14, s9;
	v44 =	vmov v51;
	v51 =	vld.idx.msk [tilespmem:v31+s13+$0xFFFFFFF0 ss:$0x1], $0xffff;
	[tilespmem:v38+s29+$0x0] =	vst.idx.msk vm4, v10;
	v17 =	vmul.f32 v17, v40;
	v16 =	vsub.f32 $0.0e+00, v16  }
0x190: {  	v7 =	vadd.s32 s9, v7;
	v8 =	vbroadcast v1, $0xF;
	v27 =	vmovc v18;
	[tilespmem:$0x1FE40] =	vst v6;
	v6 =	vmovc v18;
	v18 =	vadd.f32 s0, v41  }
0x191: {  	v35 =	vmovc v9;
	(xrf2) =	vadd.scan.msk.f32 $0xffff, v17;
	v17 =	vmul.f32 v36, v50;
	v9 =	vsub.f32 $0.0e+00, v10;
	[tilespmem:v24+s28+$0x0] =	vst.idx.msk vm10, v16  }
0x192: {  	s11 =	spop (v2sf);
	v41 =	vadd.s32 v1, v7;
	[tilespmem:$0x1FFA0] =	vst v6;
	v10 =	vsub.f32 $0.0e+00, v18;
	v1 =	vmul.f32 v5, v42  }
0x193: {  	s10 =	sshll.u32 s11, $0x1;
	[tilespmem:v20+s28+$0x0] =	vst.idx.msk vm15, v18;
	v6, _, _ =	vpop (xrf2);
	(xrf2) =	vadd.scan.msk.f32 $0xffff, v17  }
0x194: {  	s9 =	sadd.s32 s9, s10;
	v16 =	vsel vm0, $0xFFFFFFFF, v60;
	[tilespmem:v12+s28+$0x0] =	vst.idx.msk vm15, v10;
	(xrf2) =	vadd.scan.msk.f32 $0xffff, v1;
	v1 =	vsub.f32 $0.0e+00, v53  }
0x195: {  	[tilespmem:v32+s28+$0x0] =	vst.idx.msk vm12, v15;
	v10 =	vadd.s32 s9, v16;
	v16 =	vld.idx.msk [tilespmem:v11+s17+$0xFFFFFFF0 ss:$0x1], $0xffff  }
0x196: {  	[tilespmem:v14+s29+$0x0] =	vst.idx.msk vm5, v1;
	v1 =	vld [tilespmem:$0x1FE90]  }
0x197: {  	v15 =	vld.idx.msk [tilespmem:v11+s17+$0xFFFFFFE0 ss:$0x1], $0xffff;
	_ =	sdelay $0x4  }
0x198: {  	v25 =	vsub.f32 $0.0e+00, v25;
	v5 =	vmul.f32 v15, v4;
	_ =	sdelay $0x1  }
0x199: {  	(xrf2) =	vadd.scan.msk.f32 $0xffff, v5;
	v5 =	vld [tilespmem:$0x1FFB0];
	[tilespmem:v1+s30+$0x0] =	vst.idx.msk vm9, v25;
	v1 =	vmov v32  }
0x19a: {  	[tilespmem:$0x1FFB0] =	vst v1;
	v1 =	vld [tilespmem:$0x1FF60];
	_ =	sdelay $0x2  }
0x19b: {  	s14 =	spop (v2sf);
	vm13 =	vmmov vm11;
	vm8 =	vne.s32 v62, v58  }
0x19c: {  	s11 =	sshll.u32 s14, $0x1;
	s15 =	spop (v2sf);
	v63 =	vsel vm13, $0xFFFFFFFF, v60;
	v55 =	vld.idx.msk [tilespmem:v11+s19+$0x10 ss:$0x1], $0xffff;
	[tilespmem:v29+s29+$0x0] =	vst.idx.msk vm4, v9;
	v36 =	vadd.s32 v8, v41;
	v11 =	vmovc v29;
	v29 =	vimm.s32 $0x0  }
0x19d: {  	s11 =	sadd.s32 s9, s11;
	s10 =	sshll.u32 s15, $0x1;
	s16 =	spop (v2sf);
	v17 =	vsel vm8, $0x1, v60;
	v8 =	vsel vm5, $0xFFFFFFFF, v29;
	vm5 =	vnez.u8 v1  }
0x19e: {  	s15 =	sadd.f32 s16, s0;
	s14 =	sadd.s32 s11, s10;
	(xrf0) =	vadd.scan.msk.s32 $0xffff, v17;
	v17 =	vadd.s32 s11, v63;
	s11 =	spop (v2sf);
	v1 =	vimm.s32 $0x0;
	vm9 =	vmmov vm5  }
0x19f: {  	vm3 =	vmmov vm0;
	s0 =	sadd.f32 s11, s25;
	v1 =	vsel vm9, $0xFFFFFFFF, v1  }
0x1a0: {  	vm0 =	vne.s32 v51, v46;
	vm5 =	vmmov vm12;
	[tilespmem:$0x1FF50] =	vst v1;
	v1 =	vimm.s32 $0x0  }
0x1a1: {  	v9 =	vmul.f32 v55, v48;
	v55 =	vadd.f32 s0, v0;
	v0 =	vld [tilespmem:$0x1FDB0];
	v1 =	vsel vm5, $0xFFFFFFFF, v1  }
0x1a2: {  	v7 =	vsel vm0, $0x1, v60;
	v60 =	vmovc v24;
	v24 =	vmov v4;
	v4 =	vmov v5;
	[tilespmem:$0x1FF60] =	vst v1;
	v1 =	vld [tilespmem:$0x1FFE0]  }
0x1a3: {  	[tilespmem:$0x1FE90] =	vst v4;
	v4 =	vld [tilespmem:$0x1FFF0];
	_ =	sdelay $0x1  }
0x1a4: {  	v53 =	vimm.s32 $0x0  }
0x1a5: {  	v63 =	vsel vm4, $0xFFFFFFFF, v53  }
0x1a6: {  	[tilespmem:$0x1FE80] =	vst v26;
	vm12 =	vmmov vm1;
	vm9 =	vnez.u8 v0;
	vm1 =	vnez.u8 v1  }
0x1a7: {  	[tilespmem:$0x1FEF0] =	vst v63;
	vm4 =	vnez.u8 v4;
	v0 =	vimm.s32 $0x0;
	vm5 =	vmmov vm9  }
0x1a8: {  	s16 =	spop (v2sf);
	[tilespmem:$0x1FF10] =	vst v8;
	v4 =	vld [tilespmem:$0x1FDC0];
	v0 =	vsel vm5, $0xFFFFFFFF, v0  }
0x1a9: {  	s1 =	sadd.s32 $0x4, s1;
	v21 =	vmovc v12;
	v54 =	vsub.f32 $0.0e+00, v19;
	vm7 =	vmmov vm10;
	vm2 =	vmmov vm11;
	s0 =	sadd.f32 s16, s0;
	v18 =	vld.idx.msk [tilespmem:v30+s19+$0xFFFFFFF0 ss:$0x1], $0xffff;
	[tilespmem:$0x1FFE0] =	vst v0  }
0x1aa: {  	p1 =	slt.u32 s1, $0xF4;
	vm10 =	vmmov vm13;
	(v2sf) =	vpush v6, $0xF;
	v12 =	vmovc v48;
	v48 =	vmov v14;
	v1 =	vld.idx.msk [tilespmem:v28+s18+$0xFFFFFFF0 ss:$0x1], $0xffff;
	[tilespmem:v41+s26+$0x0] =	vst.idx.msk vm6, v59  }
.Ltmp5:
0x1ab: {  	v14 =	vmov v33;
	v63 =	vadd.f32 s0, v52;
	v52 =	vadd.s32 v2, v17;
	v8, _, _ =	vpop (xrf0);
	v59 =	vld.idx.msk [tilespmem:v31+s13+$0xFFFFFFE0 ss:$0x1], $0xffff;
	[tilespmem:v36+s26+$0x0] =	vst.idx.msk vm6, v56;
	(pc) =	sbr.rel @p1 .LBB2_6-.Ltmp5, $4  }
0x1ac: {  	v15 =	vld.idx.msk [tilespmem:v30+s19+$0x0 ss:$0x1], $0xffff;
	s25 =	spop (v2sf);
	v5, _, _ =	vpop (xrf2);
	(xrf2) =	vadd.scan.msk.f32 $0xffff, v9;
	(v2sf) =	vpush v8, $0xF;
	v0 =	vmul.f32 v16, v37;
	[tilespmem:v26+s29+$0x0] =	vst.idx.msk vm1, v19  }
0x1ad: {  	v53 =	vld.idx.msk [tilespmem:v28+s18+$0x10 ss:$0x1], $0xffff;
	v33 =	vmovc v22;
	s25 =	sadd.f32 s25, s0;
	[tilespmem:v57+s29+$0x0] =	vst.idx.msk vm4, v54;
	v57 =	vmovc v4;
	v4 =	vbroadcast v2, $0xF;
	vm4 =	vmmov vm9;
	v2 =	vimm.s32 $0x0  }
0x1ae: {  	v56 =	vld.idx.msk [tilespmem:v47+s31+$0x0], $0xffff;
	vm1 =	vmmov vm8;
	v19, _, _ =	vpop (xrf2);
	(xrf2) =	vadd.scan.msk.f32 $0xffff, v0;
	v0 =	vsub.f32 $0.0e+00, v63;
	v2 =	vsel vm4, $0xFFFFFFFF, v2  }
0x1af: {  	v30 =	vmovc v43;
	s0 =	spop (v2sf);
	v17 =	vld.idx.msk [tilespmem:v13+s18+$0xFFFFFFF0 ss:$0x1], $0xffff;
	v54 =	vsub.f32 $0.0e+00, v55;
	[tilespmem:$0x1FFF0] =	vst v2;
	v47 =	vadd.s32 v4, v52;
	v2 =	vadd.f32 s25, v6  }
0x1b0: {  	v28 =	vld [tilespmem:$0x1FF80];
	_ =	sdelay $0x4  }
0x1b1: {  	v13 =	vld [tilespmem:$0x1FE00];
	_ =	sdelay $0x2  }
0x1b2: {  	v26 =	vld.idx.msk [tilespmem:v28+s13+$0x0 ss:$0x1], $0xffff;
	v28 =	vimm.s32 $0x0  }
0x1b3: {  	v29 =	vsel vm1, $0xFFFFFFFF, v28  }
0x1b4: {  	v16 =	vmul.f32 v18, v13;
	v18 =	vadd.s32 s14, v29;
	v29 =	vld [tilespmem:$0x1FF30];
	_ =	sdelay $0x4  }
0x1b5: {  	v9 =	vadd.f32 s15, v19;
	_ =	sdelay $0x1  }
0x1b6: {  	(v2sf) =	vpush v5, $0xF;
	v25 =	vsub.f32 $0.0e+00, v9;
	[tilespmem:v39+s28+$0x0] =	vst.idx.msk vm14, v9  }
0x1b7: {  	(v2sf) =	vpush v19, $0xF;
	v19 =	vld.idx.msk [tilespmem:v29+s19+$0xFFFFFFE0 ss:$0x1], $0xffff;
	[tilespmem:$0x1FD70] =	vst v11  }
0x1b8: {  	[tilespmem:v45+s28+$0x0] =	vst.idx.msk vm14, v25  }
0x1b9: {  	v22 =	vld [tilespmem:$0x1FF00];
	_ =	sdelay $0x2  }
0x1ba: {  	v6, _, _ =	vpop (xrf2);
	v32 =	vadd.s32 v8, v18;
	v8 =	vbroadcast v8, $0xF  }
0x1bb: {  	s0 =	sadd.f32 s0, s8;
	v4, _, _ =	vpop (xrf2);
	vm5 =	vne.s32 v59, v56  }
0x1bc: {  	v31 =	vadd.s32 v61, v10;
	v10, _, _ =	vpop (xrf2);
	v18 =	vadd.s32 v8, v32;
	v8 =	vsel vm5, $0x1, v28  }
0x1bd: {  	(xrf0) =	vadd.scan.msk.s32 $0xffff, v8;
	v8 =	vimm.s32 $0x0;
	v11 =	vld.idx.msk [tilespmem:v3+s31+$0x0], $0xffff;
	v3 =	vadd.f32 s0, v10  }
0x1be: {  	v8 =	vsel vm7, $0xFFFFFFFF, v8  }
0x1bf: {  	(xrf2) =	vadd.scan.msk.f32 $0xffff, v16;
	v13 =	vsub.f32 $0.0e+00, v3;
	v16 =	vld.idx.msk [tilespmem:v22+s17+$0x0 ss:$0x1], $0xffff;
	[tilespmem:$0x1FD50] =	vst v8  }
0x1c0: {  	[tilespmem:v33+s29+$0x0] =	vst.idx.msk vm7, v3  }
0x1c1: {  	v3 =	vld [tilespmem:$0x1FDE0];
	[tilespmem:v60+s29+$0x0] =	vst.idx.msk vm7, v13  }
0x1c2: {  	v13 =	vld [tilespmem:$0x1FF70];
	_ =	sdelay $0x4  }
0x1c3: {  	v25 =	vmov v45;
	v45 =	vmov v32;
	_ =	sdelay $0x2  }
0x1c4: {  	s1 =	spop (v2sf);
	v8 =	vmul.f32 v19, v3;
	v3 =	vld.idx.msk [tilespmem:v13+s18+$0x0 ss:$0x1], $0xffff;
	[tilespmem:v31+s26+$0x0] =	vst.idx.msk vm3, v44  }
0x1c5: {  	[dreg:$0x1a] =	wrdreg s1  }
0x1c6: {  	v9 =	vbroadcast v61, $0xF;
	v32 =	vld.idx.msk [tilespmem:v13+s13+$0xFFFFFFE0 ss:$0x1], $0xffff;
	[tilespmem:v45+s26+$0x0] =	vst.idx.msk vm1, v62  }
0x1c7: {  	[tilespmem:v18+s26+$0x0] =	vst.idx.msk vm1, v58  }
0x1c8: {  	v61 =	vadd.s32 v9, v31;
	v19 =	vld [tilespmem:$0x1FE30];
	_ =	sdelay $0x4  }
0x1c9: {  	[tilespmem:v61+s26+$0x0] =	vst.idx.msk vm3, v19  }
0x1ca: {  	v62 =	vld [tilespmem:$0x1FF90]  }
0x1cb: {  	(v2sf) =	vpush v6, $0xF;
	_ =	sdelay $0x3  }
0x1cc: {  	(v2sf) =	vpush v10, $0xF;
	v10 =	vmul.f32 v17, v1  }
0x1cd: {  	[tilespmem:v52+s26+$0x0] =	vst.idx.msk vm10, v49  }
0x1ce: {  	(xrf2) =	vadd.scan.msk.f32 $0xffff, v10;
	v10 =	vld [tilespmem:$0x1FE40]  }
0x1cf: {  	v17 =	vmul.f32 v15, v23;
	v23 =	vld.idx.msk [tilespmem:v62+s13+$0xFFFFFFE0 ss:$0x1], $0xffff;
	_ =	sdelay $0x1  }
0x1d0: {  	(v2sf) =	vpush v4, $0xF;
	_ =	sdelay $0x1  }
0x1d1: {  	s10 =	spop (v2sf);
	v9 =	vld.idx.msk [tilespmem:v29+s19+$0x10 ss:$0x1], $0xffff;
	[tilespmem:v47+s26+$0x0] =	vst.idx.msk vm2, v10  }
0x1d2: {  	(xrf0) =	vadd.scan.msk.s32 $0xffff, v7;
	s2 =	spop (v2sf);
	v7 =	vmul.f32 v23, v32;
	v23 =	vld [tilespmem:$0x1FFC0]  }
0x1d3: {  	s7 =	spop (v2sf);
	vm4 =	vne.s32 v26, v11;
	(xrf2) =	vadd.scan.msk.f32 $0xffff, v8  }
0x1d4: {  	s7 =	sadd.f32 s7, s15;
	v8 =	vsel vm4, $0x1, v28;
	(xrf2) =	vadd.scan.msk.f32 $0xffff, v17;
	v17 =	vld [tilespmem:$0x1FFD0]  }
0x1d5: {  	s11 =	spop (v2sf);
	(xrf0) =	vadd.scan.msk.s32 $0xffff, v8;
	v8 =	vmul.f32 v16, v50  }
0x1d6: {  	s8 =	sadd.f32 s11, s7  }
0x1d7: {  	vm9 =	vmmov vm10;
	v15, _, _ =	vpop (xrf0);
	(xrf2) =	vadd.scan.msk.f32 $0xffff, v8;
	v9 =	vmul.f32 v9, v12;
	v8 =	vld.idx.msk [tilespmem:v62+s18+$0x0 ss:$0x1], $0xffff;
	vm10 =	vnez.u8 v23  }
0x1d8: {  	v58 =	vadd.f32 s8, v5;
	v10, _, _ =	vpop (xrf2)  }
0x1d9: {  	v6 =	vadd.f32 s7, v6;
	(v2sf) =	vpush v10, $0xF;
	v12, _, _ =	vpop (xrf2);
	vm7 =	vnez.u8 v17  }
0x1da: {  	s15 =	spop (v2sf);
	v49 =	vsub.f32 $0.0e+00, v58;
	v16 =	vld.idx.msk [tilespmem:v62+s18+$0x10 ss:$0x1], $0xffff;
	(v2sf) =	vpush v15, $0xF;
	[tilespmem:$0x1FD60] =	vst v12;
	v17, _, _ =	vpop (xrf0);
	vm7 =	vmmov vm7  }
0x1db: {  	s7 =	sadd.f32 s15, s0;
	(xrf2) =	vadd.scan.msk.f32 $0xffff, v9;
	vm2 =	vmmov vm15;
	(v2sf) =	vpush v17, $0xF;
	v9, _, _ =	vpop (xrf0);
	[tilespmem:v27+s28+$0x0] =	vst.idx.msk vm12, v58  }
0x1dc: {  	s0 =	sadd.f32 s2, s8;
	v8 =	vmul.f32 v8, v3;
	v58, _, _ =	vpop (xrf2);
	(v2sf) =	vpush v9, $0xF;
	[tilespmem:v30+s28+$0x0] =	vst.idx.msk vm12, v49;
	v23 =	vimm.s32 $0x0  }
0x1dd: {  	(xrf2) =	vadd.scan.msk.f32 $0xffff, v7;
	(v2sf) =	vpush v58, $0xF;
	v7 =	vsel vm2, $0xFFFFFFFF, v23;
	[tilespmem:v34+s28+$0x0] =	vst.idx.msk vm10, v6  }
0x1de: {  	s16 =	spop (v2sf);
	s1 =	sshll.u32 s10, $0x1;
	v27 =	vsel vm5, $0xFFFFFFFF, v28;
	v5, _, _ =	vpop (xrf2);
	v58 =	vadd.f32 s0, v58;
	v6 =	vsub.f32 $0.0e+00, v6;
	[tilespmem:$0x1FD90] =	vst v7  }
0x1df: {  	s2 =	sadd.f32 s16, s7;
	s1 =	sadd.s32 s14, s1;
	(xrf2) =	vadd.scan.msk.f32 $0xffff, v8;
	v8 =	vmul.f32 v16, v53;
	(v2sf) =	vpush v5, $0xF;
	[tilespmem:$0x1FDA0] =	vst v30  }
0x1e0: {  	(v2sf) =	vpush v12, $0xF;
	v12 =	vbroadcast v15, $0xF;
	v7 =	vadd.s32 s1, v27;
	[tilespmem:v35+s28+$0x0] =	vst.idx.msk vm7, v6  }
0x1e1: {  	v49, _, _ =	vpop (xrf2);
	v23 =	vadd.f32 s2, v10;
	v10 =	vsub.f32 $0.0e+00, v58;
	v16 =	vld.idx.msk [tilespmem:v22+s18+$0xFFFFFFE0 ss:$0x1], $0xffff;
	v27 =	vadd.s32 v15, v7;
	[tilespmem:v41+s28+$0x0] =	vst.idx.msk vm6, v58  }
0x1e2: {  	(v2sf) =	vpush v49, $0xF;
	v19 =	vld.idx.msk [tilespmem:v22+s17+$0x10 ss:$0x1], $0xffff;
	[tilespmem:$0x1FD80] =	vst v33;
	v33 =	vadd.s32 v12, v27  }
0x1e3: {  	v58 =	vsub.f32 $0.0e+00, v23;
	[tilespmem:v36+s28+$0x0] =	vst.idx.msk vm6, v10  }
0x1e4: {  	[tilespmem:v20+s29+$0x0] =	vst.idx.msk vm2, v23  }
0x1e5: {  	[tilespmem:v21+s29+$0x0] =	vst.idx.msk vm2, v58;
	v58 =	vld.idx.msk [tilespmem:v13+s13+$0xFFFFFFF0 ss:$0x1], $0xffff  }
0x1e6: {  	v23 =	vld.idx.msk [tilespmem:v29+s17+$0xFFFFFFF0 ss:$0x1], $0xffff;
	[tilespmem:v27+s26+$0x0] =	vst.idx.msk vm5, v59  }
0x1e7: {  	[tilespmem:v33+s26+$0x0] =	vst.idx.msk vm5, v56  }
0x1e8: {  	v59 =	vld [tilespmem:$0x1FFE0];
	_ =	sdelay $0x1  }
0x1e9: {  	s19 =	spop (v2sf)  }
0x1ea: {  	(xrf2) =	vadd.scan.msk.f32 $0xffff, v8;
	s9 =	spop (v2sf);
	v6 =	vmul.f32 v23, v37;
	v23 =	vld [tilespmem:$0x1FEC0]  }
0x1eb: {  	s10 =	spop (v2sf)  }
0x1ec: {  	vm10 =	vmmov vm12;
	s11 =	spop (v2sf);
	vm12 =	vnez.u8 v59  }
0x1ed: {  	s14 =	spop (v2sf)  }
0x1ee: {  	v8, _, _ =	vpop (xrf2);
	s2 =	sadd.f32 s19, s2;
	v10 =	vld.idx.msk [tilespmem:v22+s18+$0xFFFFFFF0 ss:$0x1], $0xffff;
	s15 =	spop (v2sf)  }
0x1ef: {  	v4 =	vadd.f32 s7, v4;
	(v2sf) =	vpush v8, $0xF;
	v30 =	vmov v35;
	v12, _, _ =	vpop (xrf2);
	s16 =	spop (v2sf);
	v35 =	vld.idx.msk [tilespmem:v62+s13+$0xFFFFFFF0 ss:$0x1], $0xffff;
	[dreg:$0x19] =	wrdreg s11  }
0x1f0: {  	v44 =	vmov v18;
	(v2sf) =	vpush v12, $0xF;
	v15, _, _ =	vpop (xrf2);
	v18 =	vmul.f32 v16, v40;
	[dreg:$0x1c] =	wrdreg s16;
	s19 =	spop (v2sf)  }
0x1f1: {  	(v2sf) =	vpush v15, $0xF;
	v7, _, _ =	vpop (xrf2);
	[dreg:$0x1b] =	wrdreg s19  }
0x1f2: {  	(v2sf) =	vpush v7, $0xF;
	[tilespmem:v23+s29+$0x0] =	vst.idx.msk vm12, v4  }
0x1f3: {  	v56 =	vadd.f32 s2, v8;
	v8 =	vsub.f32 $0.0e+00, v4;
	v4 =	vld [tilespmem:$0x1FFF0]  }
0x1f4: {  	v19 =	vmul.f32 v19, v42;
	(xrf2) =	vadd.scan.msk.f32 $0xffff, v18;
	v18, _, _ =	vpop (xrf2)  }
0x1f5: {  	(v2sf) =	vpush v18, $0xF  }
0x1f6: {  	(xrf2) =	vadd.scan.msk.f32 $0xffff, v19;
	_ =	sdelay $0x1  }
0x1f7: {  	vm15 =	vmmov vm5;
	v10 =	vmul.f32 v10, v1;
	vm5 =	vnez.u8 v4  }
0x1f8: {  	vm14 =	vmmov vm14  }
0x1f9: {  	(xrf2) =	vadd.scan.msk.f32 $0xffff, v10;
	v10 =	vmul.f32 v35, v58  }
0x1fa: {  	vm3 =	vmmov vm3;
	(xrf2) =	vadd.scan.msk.f32 $0xffff, v6  }
0x1fb: {  	s8 =	sshll.u32 s9, $0x1;
	s7 =	sadd.f32 s14, s0;
	(xrf2) =	vadd.scan.msk.f32 $0xffff, v10  }
0x1fc: {  	s1 =	sadd.s32 s1, s8;
	v35 =	vsel vm0, $0xFFFFFFFF, v28;
	vm0 =	vmmov vm0  }
0x1fd: {  	s9 =	spop (v2sf);
	v37 =	vadd.s32 s1, v35;
	v4 =	vadd.f32 s7, v7;
	[tilespmem:v57+s29+$0x0] =	vst.idx.msk vm5, v8;
	v8 =	vsub.f32 $0.0e+00, v56  }
0x1fe: {  	s0 =	sadd.f32 s9, s2;
	v35 =	vadd.s32 v17, v37;
	v16, _, _ =	vpop (xrf2);
	[tilespmem:v39+s29+$0x0] =	vst.idx.msk vm14, v56;
	v57 =	vmov v39;
	v39 =	vbroadcast v17, $0xF  }
0x1ff: {  	vm13 =	vmmov vm6;
	vm6 =	vmmov vm11;
	s19 =	spop (v2sf);
	v10, _, _ =	vpop (xrf2);
	[tilespmem:v25+s29+$0x0] =	vst.idx.msk vm14, v8;
	v8 =	vsub.f32 $0.0e+00, v4  }
0x200: {  	s11 =	sshll.u32 s10, $0x1;
	v59 =	vmovc v25;
	vm12 =	vmmov vm4;
	s14 =	spop (v2sf);
	[tilespmem:v31+s28+$0x0] =	vst.idx.msk vm3, v4;
	v25 =	vadd.f32 s0, v10;
	v37 =	vadd.s32 v39, v35  }
0x201: {  	vm6 =	vmmov vm1;
	s8 =	sadd.s32 s1, s11;
	s16 =	spop (v2sf);
	v6 =	vld.idx.msk [tilespmem:v29+s17+$0xFFFFFFE0 ss:$0x1], $0xffff;
	v39 =	vsel vm12, $0xFFFFFFFF, v28;
	[tilespmem:v61+s28+$0x0] =	vst.idx.msk vm3, v8  }
0x202: {  	(v2sf) =	vpush v10, $0xF;
	s2 =	sadd.f32 s16, s7;
	v4 =	vadd.s32 s8, v39;
	v10 =	vld.idx.msk [tilespmem:v29+s17+$0x0 ss:$0x1], $0xffff;
	v19 =	vsub.f32 $0.0e+00, v25;
	[tilespmem:v34+s29+$0x0] =	vst.idx.msk vm7, v25  }
0x203: {  	vm9 =	vmmov vm9;
	s9 =	spop (v2sf);
	v39 =	vadd.s32 v9, v4;
	v25 =	vbroadcast v9, $0xF;
	v9, _, _ =	vpop (xrf2);
	v8 =	vld.idx.msk [tilespmem:v13+s13+$0x0 ss:$0x1], $0xffff;
	[tilespmem:v35+s26+$0x0] =	vst.idx.msk vm0, v51  }
0x204: {  	(v2sf) =	vpush v16, $0xF;
	v56 =	vmov v31;
	v28 =	vadd.f32 s2, v18;
	s2 =	sadd.f32 s9, s2;
	v17 =	vld.idx.msk [tilespmem:v22+s18+$0x0 ss:$0x1], $0xffff;
	v31, _, _ =	vpop (xrf2);
	[tilespmem:v30+s29+$0x0] =	vst.idx.msk vm7, v19  }
0x205: {  	vm1 =	vmmov vm9;
	(v2sf) =	vpush v9, $0xF;
	v4 =	vadd.s32 v25, v39;
	[tilespmem:v37+s26+$0x0] =	vst.idx.msk vm0, v46;
	v19 =	vld.idx.msk [tilespmem:v29+s17+$0x10 ss:$0x1], $0xffff;
	v46, _, _ =	vpop (xrf2)  }
0x206: {  	v15 =	vadd.f32 s2, v15;
	v6 =	vmul.f32 v6, v24;
	v51 =	vld.idx.msk [tilespmem:v62+s13+$0x0 ss:$0x1], $0xffff;
	(v2sf) =	vpush v46, $0xF  }
0x207: {  	[tilespmem:v52+s28+$0x0] =	vst.idx.msk vm11, v28;
	v10 =	vmul.f32 v10, v50  }
0x208: {  	[tilespmem:v45+s28+$0x0] =	vst.idx.msk vm6, v15;
	(xrf2) =	vadd.scan.msk.f32 $0xffff, v6  }
0x209: {  	v7 =	vld.idx.msk [tilespmem:v13+s13+$0x10 ss:$0x1], $0xffff;
	[tilespmem:v39+s26+$0x0] =	vst.idx.msk vm4, v26;
	v26 =	vsub.f32 $0.0e+00, v15;
	(xrf2) =	vadd.scan.msk.f32 $0xffff, v10;
	v10 =	vmul.f32 v17, v3  }
0x20a: {  	v6 =	vsub.f32 $0.0e+00, v28;
	[tilespmem:v4+s26+$0x0] =	vst.idx.msk vm4, v11;
	v24 =	vmul.f32 v19, v42  }
0x20b: {  	s1 =	sadd.f32 s14, s2;
	[tilespmem:v44+s28+$0x0] =	vst.idx.msk vm6, v26;
	(xrf2) =	vadd.scan.msk.f32 $0xffff, v10;
	v28 =	vld.idx.msk [tilespmem:v62+s13+$0x10 ss:$0x1], $0xffff;
	v10 =	vmul.f32 v51, v8  }
0x20c: {  	[tilespmem:v47+s28+$0x0] =	vst.idx.msk vm1, v6;
	v42 =	vld.idx.msk [tilespmem:v22+s13+$0xFFFFFFE0 ss:$0x1], $0xffff;
	(xrf2) =	vadd.scan.msk.f32 $0xffff, v24  }
0x20d: {  	v46 =	vadd.f32 s1, v46;
	(xrf2) =	vadd.scan.msk.f32 $0xffff, v10;
	v10 =	vld [tilespmem:$0x1FE50]  }
0x20e: {  	v13 =	vmov v44;
	v44 =	vld.idx.msk [tilespmem:v22+s18+$0x10 ss:$0x1], $0xffff  }
0x20f: {  	v62 =	vsub.f32 $0.0e+00, v46  }
0x210: {  	[tilespmem:v27+s28+$0x0] =	vst.idx.msk vm15, v46  }
0x211: {  	s10 =	spop (v2sf);
	[tilespmem:v33+s28+$0x0] =	vst.idx.msk vm15, v62;
	v15 =	vmul.f32 v28, v7  }
0x212: {  	vm13 =	vmmov vm13;
	s0 =	sadd.f32 s10, s0;
	v6 =	vmul.f32 v42, v32;
	v26 =	vld.idx.msk [tilespmem:v22+s13+$0xFFFFFFF0 ss:$0x1], $0xffff;
	vm5 =	vnez.u8 v10;
	v10, _, _ =	vpop (xrf2)  }
0x213: {  	s11 =	spop (v2sf);
	v51 =	vmul.f32 v44, v53;
	(xrf2) =	vadd.scan.msk.f32 $0xffff, v15;
	(v2sf) =	vpush v10, $0xF  }
0x214: {  	s2 =	sadd.f32 s11, s0;
	v44 =	vld [tilespmem:$0x1FFA0];
	s14 =	spop (v2sf);
	v18, _, _ =	vpop (xrf2);
	(xrf2) =	vadd.scan.msk.f32 $0xffff, v6;
	(v2sf) =	vpush v31, $0xF  }
0x215: {  	(xrf2) =	vadd.scan.msk.f32 $0xffff, v51;
	v24, _, _ =	vpop (xrf2);
	(v2sf) =	vpush v18, $0xF;
	s16 =	spop (v2sf)  }
0x216: {  	v9 =	vadd.f32 s2, v9;
	v19, _, _ =	vpop (xrf2);
	s1 =	sadd.f32 s16, s1  }
0x217: {  	vm0 =	vmmov vm0;
	v15 =	vmul.f32 v26, v58;
	v42, _, _ =	vpop (xrf2)  }
0x218: {  	v28 =	vsub.f32 $0.0e+00, v9;
	[tilespmem:v41+s29+$0x0] =	vst.idx.msk vm13, v9;
	v9 =	vadd.f32 s1, v42  }
0x219: {  	v50 =	vadd.f32 s0, v16;
	(xrf2) =	vadd.scan.msk.f32 $0xffff, v15  }
0x21a: {  	(v2sf) =	vpush v24, $0xF;
	v17 =	vsub.f32 $0.0e+00, v9  }
0x21b: {  	[tilespmem:v36+s29+$0x0] =	vst.idx.msk vm13, v28;
	s0 =	sadd.f32 s14, s2  }
0x21c: {  	v25 =	vsub.f32 $0.0e+00, v50;
	(v2sf) =	vpush v19, $0xF;
	[tilespmem:v44+s29+$0x0] =	vst.idx.msk vm5, v50  }
0x21d: {  	v6 =	vadd.f32 s0, v24;
	(v2sf) =	vpush v42, $0xF;
	[tilespmem:v35+s28+$0x0] =	vst.idx.msk vm0, v9;
	v51, _, _ =	vpop (xrf2)  }
0x21e: {  	[tilespmem:v37+s28+$0x0] =	vst.idx.msk vm0, v17;
	v17, _, _ =	vpop (xrf2)  }
0x21f: {  	[tilespmem:v43+s29+$0x0] =	vst.idx.msk vm5, v25;
	v43 =	vsub.f32 $0.0e+00, v6;
	(v2sf) =	vpush v51, $0xF;
	v28, _, _ =	vpop (xrf2)  }
0x220: {  	(v2sf) =	vpush v28, $0xF  }
0x221: {  	v46 =	vld.idx.msk [tilespmem:v29+s18+$0xFFFFFFF0 ss:$0x1], $0xffff;
	[tilespmem:v56+s29+$0x0] =	vst.idx.msk vm3, v6  }
0x222: {  	v50 =	vld.idx.msk [tilespmem:v29+s18+$0xFFFFFFE0 ss:$0x1], $0xffff;
	[tilespmem:v61+s29+$0x0] =	vst.idx.msk vm3, v43;
	s7 =	spop (v2sf);
	(v2sf) =	vpush v17, $0xF  }
0x223: {  	v9 =	vld.idx.msk [tilespmem:v29+s18+$0x0 ss:$0x1], $0xffff;
	v43, _, _ =	vpop (xrf2);
	s16 =	spop (v2sf)  }
0x224: {  	v62 =	vld.idx.msk [tilespmem:v22+s13+$0x0 ss:$0x1], $0xffff;
	s11 =	spop (v2sf);
	(v2sf) =	vpush v43, $0xF;
	_ =	sdelay $0x1  }
0x225: {  	v26 =	vmul.f32 v46, v1  }
0x226: {  	v16 =	vmul.f32 v50, v40  }
0x227: {  	(xrf2) =	vadd.scan.msk.f32 $0xffff, v26;
	v40 =	vmul.f32 v9, v3  }
0x228: {  	(xrf2) =	vadd.scan.msk.f32 $0xffff, v16;
	v42 =	vmul.f32 v62, v8;
	s17 =	spop (v2sf)  }
0x229: {  	(xrf2) =	vadd.scan.msk.f32 $0xffff, v40;
	s0 =	sadd.f32 s17, s0  }
0x22a: {  	(xrf2) =	vadd.scan.msk.f32 $0xffff, v42;
	s10 =	spop (v2sf)  }
0x22b: {  	s9 =	spop (v2sf);
	v6 =	vadd.f32 s0, v28  }
0x22c: {  	vm2 =	vmmov vm15;
	vm15 =	vmmov vm12;
	s17 =	sadd.f32 s9, s1  }
0x22d: {  	v46 =	vsub.f32 $0.0e+00, v6;
	s9 =	spop (v2sf)  }
0x22e: {  	v9 =	vadd.f32 s17, v51;
	[tilespmem:v52+s29+$0x0] =	vst.idx.msk vm1, v6;
	s14 =	spop (v2sf)  }
0x22f: {  	[tilespmem:v47+s29+$0x0] =	vst.idx.msk vm1, v46;
	s0 =	sadd.f32 s14, s0  }
0x230: {  	v50 =	vsub.f32 $0.0e+00, v9;
	v51 =	vld.idx.msk [tilespmem:v29+s18+$0x10 ss:$0x1], $0xffff;
	s18 =	spop (v2sf)  }
0x231: {  	v1, _, _ =	vpop (xrf2);
	[tilespmem:v39+s28+$0x0] =	vst.idx.msk vm12, v9;
	vm12 =	vmmov vm2;
	s1 =	sadd.f32 s18, s0  }
0x232: {  	v16, _, _ =	vpop (xrf2);
	[tilespmem:v4+s28+$0x0] =	vst.idx.msk vm15, v50;
	v40 =	vadd.f32 s0, v17;
	s2 =	spop (v2sf)  }
0x233: {  	v9, _, _ =	vpop (xrf2);
	v28 =	vld.idx.msk [tilespmem:v22+s13+$0x10 ss:$0x1], $0xffff;
	v3 =	vadd.f32 s1, v43;
	s18 =	sadd.f32 s2, s1  }
0x234: {  	v62, _, _ =	vpop (xrf2);
	v43 =	vsub.f32 $0.0e+00, v40;
	[tilespmem:v45+s29+$0x0] =	vst.idx.msk vm8, v40  }
0x235: {  	v42 =	vsub.f32 $0.0e+00, v3;
	[tilespmem:v27+s29+$0x0] =	vst.idx.msk vm2, v3;
	v46 =	vadd.f32 s18, v62  }
0x236: {  	[tilespmem:v13+s29+$0x0] =	vst.idx.msk vm8, v43  }
0x237: {  	v6 =	vmul.f32 v51, v53;
	[tilespmem:v33+s29+$0x0] =	vst.idx.msk vm12, v42;
	v53 =	vsub.f32 $0.0e+00, v46  }
0x238: {  	v25 =	vmul.f32 v28, v7;
	[tilespmem:v35+s29+$0x0] =	vst.idx.msk vm0, v46  }
0x239: {  	(xrf2) =	vadd.scan.msk.f32 $0xffff, v6;
	[tilespmem:v37+s29+$0x0] =	vst.idx.msk vm0, v53  }
0x23a: {  	(v2sf) =	vpush v16, $0xF;
	(xrf2) =	vadd.scan.msk.f32 $0xffff, v25;
	v25 =	vld [tilespmem:$0x1FEA0]  }
0x23b: {  	(v2sf) =	vpush v1, $0xF  }
0x23c: {  	(v2sf) =	vpush v9, $0xF  }
0x23d: {  	(v2sf) =	vpush v62, $0xF;
	v11 =	vld [tilespmem:$0x1FE10];
	_ =	sdelay $0x1  }
0x23e: {  	vm4 =	vmmov vm5;
	vm5 =	vnez.u8 v25;
	_ =	sdelay $0x5  }
0x23f: {  	[tilespmem:v11+s30+$0x0] =	vst.idx.msk vm5, v63  }
0x240: {  	v11 =	vld [tilespmem:$0x1FE20];
	_ =	sdelay $0x2  }
0x241: {  	s0 =	spop (v2sf)  }
0x242: {  	s1 =	spop (v2sf)  }
0x243: {  	s2 =	spop (v2sf)  }
0x244: {  	s14 =	spop (v2sf)  }
0x245: {  	s18 =	sadd.f32 s14, s18  }
0x246: {  	s14 =	rddreg [dreg:$0x1a];
	[tilespmem:v11+s30+$0x0] =	vst.idx.msk vm5, v0  }
0x247: {  	v11 =	vld [tilespmem:$0x1FEB0];
	_ =	sdelay $0x1  }
0x248: {  	v51 =	vld.idx.msk [tilespmem:v29+s13+$0xFFFFFFE0 ss:$0x1], $0xffff  }
0x249: {  	vm11 =	vmmov vm15;
	v0 =	vld [tilespmem:$0x1FE60]  }
0x24a: {  	v17, _, _ =	vpop (xrf2)  }
0x24b: {  	vm9 =	vmmov vm3;
	v24, _, _ =	vpop (xrf2);
	vm3 =	vnez.u8 v11  }
0x24c: {  	v26 =	vadd.f32 s18, v24;
	_ =	sdelay $0x1  }
0x24d: {  	v15 =	vmul.f32 v51, v32;
	v32 =	vsub.f32 $0.0e+00, v26  }
0x24e: {  	[tilespmem:v39+s29+$0x0] =	vst.idx.msk vm11, v26  }
0x24f: {  	[tilespmem:v4+s29+$0x0] =	vst.idx.msk vm11, v32  }
0x250: {  	[tilespmem:v0+s30+$0x0] =	vst.idx.msk vm3, v2  }
0x251: {  	v43 =	vld [tilespmem:$0x1FE70];
	_ =	sdelay $0x5  }
0x252: {  	v40 =	vsub.f32 $0.0e+00, v2  }
0x253: {  	s14 =	sadd.f32 s14, s25  }
0x254: {  	v42 =	vld [tilespmem:$0x1FEF0];
	s25 =	rddreg [dreg:$0x1c];
	[tilespmem:v43+s30+$0x0] =	vst.idx.msk vm3, v40  }
0x255: {  	v6 =	vld [tilespmem:$0x1FEE0];
	_ =	sdelay $0x2  }
0x256: {  	v51 =	vld [tilespmem:$0x1FDD0]  }
0x257: {  	vm15 =	vmmov vm8  }
0x258: {  	vm15 =	vnez.u8 v6;
	_ =	sdelay $0x5  }
0x259: {  	[tilespmem:v51+s30+$0x0] =	vst.idx.msk vm15, v55  }
0x25a: {  	v53 =	vld [tilespmem:$0x1FDF0];
	_ =	sdelay $0x6  }
0x25b: {  	v62 =	vld.idx.msk [tilespmem:v29+s13+$0x0 ss:$0x1], $0xffff;
	s15 =	sadd.f32 s15, s14  }
0x25c: {  	v46 =	vadd.f32 s14, v5;
	v5 =	vld [tilespmem:$0x1FD50];
	s14 =	rddreg [dreg:$0x1b];
	[tilespmem:v53+s30+$0x0] =	vst.idx.msk vm15, v54  }
0x25d: {  	v11 =	vld [tilespmem:$0x1FF50];
	_ =	sdelay $0x2  }
0x25e: {  	v28 =	vmul.f32 v62, v8;
	v8 =	vld [tilespmem:$0x1FE80];
	_ =	sdelay $0x1  }
0x25f: {  	vm15 =	vnez.u8 v11;
	_ =	sdelay $0x5  }
0x260: {  	[tilespmem:v8+s30+$0x0] =	vst.idx.msk vm15, v46  }
0x261: {  	v8 =	vld [tilespmem:$0x1FF10];
	_ =	sdelay $0x2  }
0x262: {  	vm8 =	vnez.u8 v42  }
0x263: {  	vm2 =	vmmov vm0;
	vm0 =	vmmov vm8;
	vm8 =	vnez.u8 v5  }
0x264: {  	vm3 =	vmmov vm8;
	vm8 =	vnez.u8 v8;
	v8 =	vld [tilespmem:$0x1FE90];
	_ =	sdelay $0x2  }
0x265: {  	s25 =	sadd.f32 s25, s15;
	_ =	sdelay $0x1  }
0x266: {  	v54 =	vadd.f32 s25, v49  }
0x267: {  	v55 =	vsub.f32 $0.0e+00, v46  }
0x268: {  	[tilespmem:v38+s30+$0x0] =	vst.idx.msk vm0, v54  }
0x269: {  	[tilespmem:v8+s30+$0x0] =	vst.idx.msk vm15, v55  }
0x26a: {  	v8 =	vld [tilespmem:$0x1FF60]  }
0x26b: {  	v50 =	vld.idx.msk [tilespmem:v29+s13+$0xFFFFFFF0 ss:$0x1], $0xffff;
	_ =	sdelay $0x3  }
0x26c: {  	vm5 =	vnez.u8 v8;
	v8 =	vld [tilespmem:$0x1FD70]  }
0x26d: {  	v58 =	vmul.f32 v50, v58;
	_ =	sdelay $0x1  }
0x26e: {  	(xrf2) =	vadd.scan.msk.f32 $0xffff, v58  }
0x26f: {  	(xrf2) =	vadd.scan.msk.f32 $0xffff, v15;
	_ =	sdelay $0x1  }
0x270: {  	v62 =	vsub.f32 $0.0e+00, v54  }
0x271: {  	v5 =	vld [tilespmem:$0x1FD60]  }
0x272: {  	(xrf2) =	vadd.scan.msk.f32 $0xffff, v28;
	v50 =	vld.idx.msk [tilespmem:v29+s13+$0x10 ss:$0x1], $0xffff;
	vm4 =	vmmov vm8;
	[tilespmem:v8+s30+$0x0] =	vst.idx.msk vm0, v62  }
0x273: {  	s13 =	sadd.f32 s14, s25;
	v8 =	vld [tilespmem:$0x1FD80];
	_ =	sdelay $0x1  }
0x274: {  	v58 =	vadd.f32 s13, v12;
	s13 =	sadd.f32 s19, s13  }
0x275: {  	v5 =	vadd.f32 s15, v5  }
0x276: {  	(v2sf) =	vpush v17, $0xF;
	v63, _, _ =	vpop (xrf2);
	v22 =	vadd.f32 s13, v10  }
0x277: {  	(v2sf) =	vpush v24, $0xF;
	v12, _, _ =	vpop (xrf2);
	v24 =	vsub.f32 $0.0e+00, v5;
	[tilespmem:v14+s30+$0x0] =	vst.idx.msk vm4, v5  }
0x278: {  	(v2sf) =	vpush v12, $0xF;
	s7 =	sadd.f32 s7, s13;
	[tilespmem:v23+s30+$0x0] =	vst.idx.msk vm5, v22  }
0x279: {  	v15 =	vsub.f32 $0.0e+00, v58;
	[tilespmem:v48+s30+$0x0] =	vst.idx.msk vm4, v24  }
0x27a: {  	(v2sf) =	vpush v63, $0xF;
	s16 =	sadd.f32 s16, s7;
	[tilespmem:v8+s30+$0x0] =	vst.idx.msk vm3, v58  }
0x27b: {  	v26, _, _ =	vpop (xrf2);
	[tilespmem:v60+s30+$0x0] =	vst.idx.msk vm3, v15  }
0x27c: {  	(v2sf) =	vpush v26, $0xF;
	s11 =	sadd.f32 s11, s16;
	v0 =	vld [tilespmem:$0x1FD90]  }
0x27d: {  	v29 =	vld [tilespmem:$0x1FFB0]  }
0x27e: {  	s10 =	sadd.f32 s10, s11  }
0x27f: {  	v2 =	vmul.f32 v50, v7  }
0x280: {  	s0 =	sadd.f32 s0, s10  }
0x281: {  	(xrf2) =	vadd.scan.msk.f32 $0xffff, v2  }
0x282: {  	v28 =	vsub.f32 $0.0e+00, v22;
	v25 =	vadd.f32 s16, v18;
	s1 =	sadd.f32 s1, s0;
	vm0 =	vnez.u8 v0  }
0x283: {  	v40 =	vadd.f32 s7, v31;
	vm8 =	vmmov vm14;
	vm4 =	vmmov vm0  }
0x284: {  	v49 =	vadd.f32 s1, v9;
	s1 =	sadd.f32 s2, s1;
	v38 =	vadd.f32 s11, v19;
	vm8 =	vmmov vm10;
	[tilespmem:v57+s30+$0x0] =	vst.idx.msk vm14, v25  }
0x285: {  	s19 =	spop (v2sf);
	v32 =	vsub.f32 $0.0e+00, v25;
	vm15 =	vmmov vm5;
	[tilespmem:v29+s30+$0x0] =	vst.idx.msk vm5, v28;
	vm5 =	vmmov vm8  }
0x286: {  	s25 =	spop (v2sf);
	v51 =	vadd.f32 s1, v17;
	s1 =	sadd.f32 s19, s1;
	v42 =	vsub.f32 $0.0e+00, v38;
	[tilespmem:v34+s30+$0x0] =	vst.idx.msk vm7, v38  }
0x287: {  	vm1 =	vmmov vm1;
	v43 =	vadd.f32 s10, v16;
	s10 =	spop (v2sf);
	[tilespmem:v59+s30+$0x0] =	vst.idx.msk vm14, v32  }
0x288: {  	v46 =	vsub.f32 $0.0e+00, v40;
	s11 =	sadd.f32 s10, s1;
	[tilespmem:v30+s30+$0x0] =	vst.idx.msk vm7, v42;
	vm0 =	vmmov vm9  }
0x289: {  	s13 =	spop (v2sf);
	vm0 =	vmmov vm2;
	[tilespmem:v20+s30+$0x0] =	vst.idx.msk vm4, v40  }
0x28a: {  	s14 =	sadd.f32 s13, s11;
	[tilespmem:v21+s30+$0x0] =	vst.idx.msk vm4, v46  }
0x28b: {  	s15 =	spop (v2sf);
	v8, _, _ =	vpop (xrf2);
	[tilespmem:v44+s30+$0x0] =	vst.idx.msk vm5, v43  }
0x28c: {  	v53 =	vadd.f32 s0, v1;
	s16 =	sadd.f32 s15, s14;
	(v2sf) =	vpush v8, $0xF;
	v2 =	vld [tilespmem:$0x1FDA0];
	[tilespmem:v56+s30+$0x0] =	vst.idx.msk vm9, v49  }
0x28d: {  	v58 =	vadd.f32 s14, v26;
	[tilespmem:v52+s30+$0x0] =	vst.idx.msk vm1, v51  }
0x28e: {  	v60 =	vadd.f32 s16, v8;
	[tilespmem:v41+s30+$0x0] =	vst.idx.msk vm13, v53  }
0x28f: {  	v50 =	vsub.f32 $0.0e+00, v49;
	[tilespmem:v35+s30+$0x0] =	vst.idx.msk vm0, v58  }
0x290: {  	v54 =	vsub.f32 $0.0e+00, v51;
	vm10 =	vmmov vm6;
	[tilespmem:v39+s30+$0x0] =	vst.idx.msk vm11, v60  }
0x291: {  	v55 =	vsub.f32 $0.0e+00, v53;
	vm4 =	vmmov vm10;
	[tilespmem:v61+s30+$0x0] =	vst.idx.msk vm9, v50  }
0x292: {  	v59 =	vsub.f32 $0.0e+00, v58;
	[tilespmem:v47+s30+$0x0] =	vst.idx.msk vm1, v54  }
0x293: {  	v62 =	vsub.f32 $0.0e+00, v60;
	[tilespmem:v36+s30+$0x0] =	vst.idx.msk vm13, v55  }
0x294: {  	v56 =	vadd.f32 s1, v12;
	[tilespmem:v37+s30+$0x0] =	vst.idx.msk vm0, v59;
	v61 =	vadd.f32 s11, v63  }
0x295: {  	[tilespmem:v4+s30+$0x0] =	vst.idx.msk vm11, v62  }
0x296: {  	v57 =	vsub.f32 $0.0e+00, v56;
	[tilespmem:v27+s30+$0x0] =	vst.idx.msk vm12, v61  }
0x297: {  	v48 =	vsub.f32 $0.0e+00, v43;
	[tilespmem:v45+s30+$0x0] =	vst.idx.msk vm4, v56  }
0x298: {  	[tilespmem:v13+s30+$0x0] =	vst.idx.msk vm4, v57  }
0x299: {  	s0 =	sadd.f32 s9, s17;
	[tilespmem:v2+s30+$0x0] =	vst.idx.msk vm5, v48  }
0x29a: {  	vm15 =	vmmov vm7;
	v63 =	vsub.f32 $0.0e+00, v61;
	s19 =	rddreg [dreg:$0x19]  }
0x29b: {  	s2 =	sadd.f32 s25, s18;
	v9 =	vimm.s32 $0x0;
	vm15 =	vmmov vm12;
	s25 =	spop (v2sf);
	s1 =	sshll.u32 s19, $0x1  }
0x29c: {  	s7 =	simm.s32 $0x0;
	vm3 =	vmmov vm13;
	vm14 =	vmmov vm11;
	v51 =	vlaneseq.u32;
	[tilespmem:v33+s30+$0x0] =	vst.idx.msk vm12, v63;
	s1 =	sadd.s32 s8, s1;
	s8 =	sadd.f32 s25, s16  }
.LBB2_8:
0x29d: {  	v0 =	vadd.s32 s20, v51;
	_ =	sdelay $0x1  }
0x29e: {  	s9 =	sshra.s32 s7, $0x2  }
0x29f: {  	s10 =	sadd.s32 s9, s21  }
0x2a0: {  	v1 =	vld [tilespmem:s10+$0x0]  }
0x2a1: {  	v0 =	vld.idx.msk [tilespmem:v0+s31+$0x0], $0xffff;
	_ =	sdelay $0x4  }
0x2a2: {  	vm0 =	vne.s32 v1, v0  }
0x2a3: {  	v2 =	vsel vm0, $0x1, v9  }
0x2a4: {  	(xrf0) =	vadd.scan.msk.s32 $0xffff, v2;
	_ =	sdelay $0x5  }
0x2a5: {  	v59 =	vsel vm0, $0xFFFFFFFF, v9;
	v3, _, _ =	vpop (xrf0)  }
0x2a6: {  	v2 =	vadd.s32 s1, v59;
	v4 =	vbroadcast v3, $0xF  }
0x2a7: {  	v2 =	vadd.s32 v3, v2  }
0x2a8: {  	v4 =	vadd.s32 v4, v2;
	_ =	sdelay $0x2  }
0x2a9: {  	s15 =	sadd.s32 s9, s22  }
0x2aa: {  	v5 =	vld [tilespmem:s15+$0x0];
	[tilespmem:v2+s26+$0x0] =	vst.idx.msk vm0, v1  }
0x2ab: {  	s16 =	sadd.s32 s9, s23;
	[tilespmem:v4+s26+$0x0] =	vst.idx.msk vm0, v0  }
0x2ac: {  	v0 =	vld [tilespmem:s16+$0x0];
	_ =	sdelay $0x4  }
0x2ad: {  	v0 =	vmul.f32 v0, v5;
	_ =	sdelay $0x1  }
0x2ae: {  	(xrf2) =	vadd.scan.msk.f32 $0xffff, v0;
	_ =	sdelay $0x9  }
0x2af: {  	v0, _, _ =	vpop (xrf2)  }
0x2b0: {  	v60 =	vadd.f32 s0, v0;
	_ =	sdelay $0x1  }
0x2b1: {  	v6 =	vsub.f32 $0.0e+00, v60  }
0x2b2: {  	[tilespmem:v2+s28+$0x0] =	vst.idx.msk vm0, v60  }
0x2b3: {  	s17 =	sadd.s32 s9, s24;
	[tilespmem:v4+s28+$0x0] =	vst.idx.msk vm0, v6  }
0x2b4: {  	v1 =	vld [tilespmem:s17+$0x0];
	_ =	sdelay $0x4  }
0x2b5: {  	v1 =	vmul.f32 v1, v5;
	_ =	sdelay $0x1  }
0x2b6: {  	(xrf2) =	vadd.scan.msk.f32 $0xffff, v1;
	_ =	sdelay $0x9  }
0x2b7: {  	v1, _, _ =	vpop (xrf2)  }
0x2b8: {  	v61 =	vadd.f32 s2, v1;
	_ =	sdelay $0x1  }
0x2b9: {  	v7 =	vsub.f32 $0.0e+00, v61  }
0x2ba: {  	[tilespmem:v2+s29+$0x0] =	vst.idx.msk vm0, v61  }
0x2bb: {  	s9 =	sadd.s32 s9, s12;
	[tilespmem:v4+s29+$0x0] =	vst.idx.msk vm0, v7  }
0x2bc: {  	v6 =	vld [tilespmem:s9+$0x0];
	_ =	sdelay $0x4  }
0x2bd: {  	v5 =	vmul.f32 v6, v5;
	_ =	sdelay $0x1  }
0x2be: {  	(xrf2) =	vadd.scan.msk.f32 $0xffff, v5;
	_ =	sdelay $0x7  }
0x2bf: {  	(v2sf) =	vpush v3, $0xF  }
0x2c0: {  	(v2sf) =	vpush v0, $0xF  }
0x2c1: {  	(v2sf) =	vpush v1, $0xF;
	v62, _, _ =	vpop (xrf2)  }
0x2c2: {  	(v2sf) =	vpush v62, $0xF;
	_ =	sdelay $0xa  }
0x2c3: {  	p1 =	sne.s32 s7, $0x40  }
.Ltmp6:
0x2c4: {  	s18 =	spop (v2sf);
	v0 =	vadd.f32 s8, v62;
	(pc) =	sbr.rel @p1 .LBB2_8-.Ltmp6, $4  }
0x2c5: {  	s19 =	spop (v2sf)  }
0x2c6: {  	s20 =	sadd.s32 $0x10, s20;
	s0 =	sadd.f32 s19, s0;
	s11 =	spop (v2sf);
	v63 =	vsub.f32 $0.0e+00, v0  }
0x2c7: {  	s9 =	sshll.u32 s18, $0x1;
	s2 =	sadd.f32 s11, s2;
	[tilespmem:v2+s30+$0x0] =	vst.idx.msk vm0, v0;
	s25 =	spop (v2sf)  }
0x2c8: {  	s7 =	sadd.s32 $0x40, s7;
	s1 =	sadd.s32 s1, s9;
	[tilespmem:v4+s30+$0x0] =	vst.idx.msk vm0, v63;
	s8 =	sadd.f32 s25, s8  }
0x2c9: {  	s0 =	sadd.s32 $0xF, s1  }
0x2ca: {  	s7 =	sand.u32 $0xF, s0  }
0x2cb: {  	s24 =	sshra.s32 s0, $0x1F;
	p2 =	slt.s32 s0, $0x1;
	p1 =	sne.s32 s7, $0x0  }
0x2cc: {  	s2 =	sadd.s32 $0x10, s1;
	v0 =	vadd.s32 s1, v51;
	s1 =	sshrl.u32 s24, $0x1C;
	p1 =	por !p2, !p1  }
0x2cd: {  	s0 =	sadd.s32 s1, s0;
	s1 =	simm.s32 $0x1;
	p1 =	por !p1, !p1  }
0x2ce: {  	s25 =	sshra.s32 s0, $0x4;
	s1 =	simm.s32 @!p1 $0x0  }
0x2cf: {  	s1 =	ssub.s32 s25, s1  }
0x2d0: {  	v1 =	vadd.s32 s2, v51;
	p1 =	slt.s32 s1, $0x1  }
.Ltmp7:
0x2d1: {  	_ = 	snop;
	(pc) =	sbr.rel @p1 .LBB2_4-.Ltmp7, $4  }
0x2d2: {  	_ = 	snop  }
0x2d3: {  	v3 =	vimm.s32 $0x187FF;
	s0 =	simm.s32 $0xFF80  }
0x2d4: {  	[tilespmem:v0+s0+$0x0] =	vst.idx.msk $0xffff, v3  }
0x2d5: {  	[tilespmem:v1+s0+$0x0] =	vst.idx.msk $0xffff, v3  }
0x2d6: {  	p2 =	sne.s32 s1, $0x1  }
.Ltmp8:
0x2d7: {  	_ = 	snop;
	(pc) =	sbr.rel @!p2 .LBB2_11-.Ltmp8, $3  }
0x2d8: {  	_ =	sdelay $0x1  }
0x2d9: {  	s8 =	simm.s32 $0x11F00;
	s7 =	simm.s32 $0x13E80  }
0x2da: {  	s2 =	simm.s32 $0x15E00;
	v0 =	vld [tilespmem:s0+$0x0];
	s0 =	sadd.s32 $0xFFFFFFFF, s1;
	p1 =	por $0x0, $0x0;
	vm0 =	vmmov $0xffff  }
0x2db: {  	_ =	sdelay $0x6  }
0x2dc: {  	p2 =	sne.s32 s0, $0x1  }
0x2dd: {  	[spmem:s3] =	stream.indirect_vreg.scatter.add.f32 [tilespmem:s8], [sflag:$0x2], $0x1, v0, vm0, $0xb8;
	[tilespmem:$0x17D80] =	vst v63  }
.Ltmp9:
0x2de: {  	_ = 	snop;
	(pc) =	sbr.rel @!p2 .LBB2_13-.Ltmp9, $4  }
0x2df: {  	[spmem:s5] =	stream.indirect_vreg.scatter.add.f32 [tilespmem:s7], [sflag:$0x2], $0x1, v0, vm0, $0xb8;
	[tilespmem:$0x17D80] =	vst v63  }
0x2e0: {  	s12 =	simm.s32 $0xFF90;
	s13 =	sadd.s32 $0xFFFFFFFF, s0;
	p1 =	por $0x1, $0x1  }
0x2e1: {  	[spmem:s6] =	stream.indirect_vreg.scatter.add.f32 [tilespmem:s2], [sflag:$0x2], $0x1, v0, vm0, $0xb8;
	[tilespmem:$0x17D80] =	vst v63  }
0x2e2: {  	s9 =	simm.s32 $0x11F00;
	s10 =	simm.s32 $0x13E80;
	s11 =	simm.s32 $0x15E00;
	v0 =	vld [tilespmem:s12+$0x0]  }
.LBB2_14:
0x2e3: {  	p2 =	sne.s32 s13, $0x1;
	_ =	sdelay $0x5  }
0x2e4: {  	s9 =	sadd.s32 $0x10, s9  }
0x2e5: {  	[spmem:s3] =	stream.indirect_vreg.scatter.add.f32 [tilespmem:s9], [sflag:$0x2], $0x1, v0, vm0, $0xb8;
	[tilespmem:$0x17D80] =	vst v63  }
.Ltmp10:
0x2e6: {  	s10 =	sadd.s32 $0x10, s10;
	(pc) =	sbr.rel @p2 .LBB2_14-.Ltmp10, $4  }
0x2e7: {  	[spmem:s5] =	stream.indirect_vreg.scatter.add.f32 [tilespmem:s10], [sflag:$0x2], $0x1, v0, vm0, $0xb8;
	[tilespmem:$0x17D80] =	vst v63  }
0x2e8: {  	s12 =	sadd.s32 $0x10, s12;
	s11 =	sadd.s32 $0x10, s11  }
0x2e9: {  	[spmem:s6] =	stream.indirect_vreg.scatter.add.f32 [tilespmem:s11], [sflag:$0x2], $0x1, v0, vm0, $0xb8;
	[tilespmem:$0x17D80] =	vst v63  }
0x2ea: {  	s13 =	sadd.s32 $0xFFFFFFFF, s13;
	v0 =	vld [tilespmem:s12+$0x0]  }
.LBB2_15:
0x2eb: {  	_ =	sdelay $0x5  }
0x2ec: {  	s9 =	sadd.s32 @p1 $0x10, s9  }
0x2ed: {  	s8 =	smov.u32 @p1 s9  }
0x2ee: {  	[spmem:s3] =	stream.indirect_vreg.scatter.add.f32 [tilespmem:s8], [sflag:$0x2], $0x1, v0, vm0, $0xb8;
	[tilespmem:$0x17D80] =	vst v63  }
0x2ef: {  	s8 =	sadd.s32 @p1 $0x10, s10  }
0x2f0: {  	s7 =	smov.u32 @p1 s8  }
0x2f1: {  	[spmem:s5] =	stream.indirect_vreg.scatter.add.f32 [tilespmem:s7], [sflag:$0x2], $0x1, v0, vm0, $0xb8;
	[tilespmem:$0x17D80] =	vst v63  }
0x2f2: {  	s7 =	sadd.s32 @p1 $0x10, s11  }
0x2f3: {  	s2 =	smov.u32 @p1 s7  }
0x2f4: {  	[spmem:s6] =	stream.indirect_vreg.scatter.add.f32 [tilespmem:s2], [sflag:$0x2], $0x1, v0, vm0, $0xb8;
	[tilespmem:$0x17D80] =	vst v63  }
0x2f5: {  	_ =	swait.ge [sflag:s4], $0x10  }
0x2f6: {  	[sflag:s4] =	ssyncset.done $0x0  }
0x2f7: {  	p1 =	seq.s32 s1, $0x1;
	[sflag:s4] =	ssyncadd.s32 $0xFFFFFFF0  }
.Ltmp11:
0x2f8: {  	_ =	swait.ge [sflag:s4], $0x10;
	(pc) =	sbr.rel @p1 .LBB2_17-.Ltmp11, $4  }
0x2f9: {  	[sflag:s4] =	ssyncset.done $0x0  }
0x2fa: {  	[sflag:s4] =	ssyncadd.s32 $0xFFFFFFF0  }
0x2fb: {  	_ =	swait.ge [sflag:s4], $0x10  }
0x2fc: {  	[sflag:s4] =	ssyncset.done $0x0  }
.LBB2_16:
0x2fd: {  	p1 =	seq.s32 s0, $0x1;
	s0 =	sadd.s32 $0xFFFFFFFF, s0;
	[sflag:s4] =	ssyncadd.s32 $0xFFFFFFF0  }
0x2fe: {  	_ =	swait.ge [sflag:s4], $0x10  }
0x2ff: {  	[sflag:s4] =	ssyncset.done $0x0  }
0x300: {  	[sflag:s4] =	ssyncadd.s32 $0xFFFFFFF0  }
.Ltmp12:
0x301: {  	_ =	swait.ge [sflag:s4], $0x10;
	(pc) =	sbr.rel @!p1 .LBB2_16-.Ltmp12, $4  }
0x302: {  	[sflag:s4] =	ssyncset.done $0x0  }
0x303: {  	[sflag:s4] =	ssyncadd.s32 $0xFFFFFFF0  }
0x304: {  	_ =	swait.ge [sflag:s4], $0x10  }
0x305: {  	[sflag:s4] =	ssyncset.done $0x0  }
.Ltmp13:
0x306: {  	_ = 	snop;
	(pc) =	sbr.rel .LBB2_17-.Ltmp13, $1  }
0x307: {  	_ =	sdelay $0x3  }
.LBB2_11:
.Ltmp14:
0x308: {  	(pc) =	sbr.rel .LBB2_15-.Ltmp14, $2  }
0x309: {  	_ =	sdelay $0x2  }
0x30a: {  	s9 =	simm.s32 $0x11F00;
	s10 =	simm.s32 $0x13E80;
	s11 =	simm.s32 $0x15E00  }
.LBB2_13:
.Ltmp15:
0x30b: {  	(pc) =	sbr.rel .LBB2_15-.Ltmp15, $2  }
0x30c: {  	_ =	sdelay $0x2  }
0x30d: {  	s9 =	simm.s32 $0x11F00;
	s10 =	simm.s32 $0x13E80;
	s11 =	simm.s32 $0x15E00  }
.LBB2_19:
0x30e: {  	_ =	sfence.sel $0x180000  }
0x30f: {  	[bflag:$0x0] =	sbarrier.arrive $0xFFFF  }
0x310: {  	_ =	strace $0x90000047  }
0x311: {  	s0 =	stileid.u32;
	[bflag:$0x2] =	sbarrier.arrive $0xFFFF  }
0x312: {  	p0 =	sne.s32 s0, $0x0;
	s0 =	rddreg [dreg:$0x6]  }
0x313: {  	s0 =	sadd.s32 @!p0 $0x100000, s0  }
0x314: {  	[sflag:s0] =	ssyncadd.tile.s32 @!p0 $0x1;
	_ =	shalt  }
.Lfunc_end2:
_tile_overlayer_lowered:
.L_overlay_start_2:
0x315: {  	(tag) =	ssettag $0x2  }
0x316: {  	s0 =	rddreg [dreg:$0x0];
	s2 =	stileid.u32  }
0x317: {  	s1 =	rddreg [dreg:$0x1];
	p0 =	sne.s32 s2, $0x0  }
0x318: {  	s3 =	rddreg [dreg:$0x2];
	[bflag:$0x3] =	sbarrier.arrive $0xFFFF;
	s2 =	simm.s32 @!p0 $0x1C03  }
0x319: {  	[timem:s3], [sflag:s2] =	dma.local @!p0 [hbm:s0], s1  }
0x31a: {  	s0 =	simm.s32 @!p0 $0x3  }
0x31b: {  	_ =	swait.ge @!p0 [sflag:s0], s1  }
0x31c: {  	s1 =	ssub.s32 @!p0 $0x0, s1;
	[sflag:s0] =	ssyncset.done @!p0 $0x0  }
0x31d: {  	[sflag:s0] =	ssyncadd.s32 @!p0 s1  }
0x31e: {  	[bflag:$0x3] =	sbarrier.arrive $0xFFFF  }
0x31f: {  	_ =	shalt  }

</sc_bundles>
